<compile_context>
chip_gen: v7x
topology: tpu7x:2x2x1
jax: 0.10.2.dev20260603
libtpu: 0.0.44.dev20260713+nightly
codegen_flags: <defaults>
</compile_context>

<pallas_src>
import functools

import jax
import jax.numpy as jnp
from jax import lax
from jax.experimental import pallas as pl
from jax.experimental.pallas import tpu as pltpu
from jax.experimental.pallas import tpu_sc as plsc

BATCH = 128
SEQ = 4096
DIM = 128
LANES = 16
NUM_CORES = 2
NUM_SUBCORES = 16
NW = NUM_CORES * NUM_SUBCORES
CHUNK = SEQ // NW


def _make_sc_call():
    mesh = plsc.VectorSubcoreMesh(core_axis_name="c", subcore_axis_name="s")

    @functools.partial(
        pl.kernel,
        mesh=mesh,
        out_type=jax.ShapeDtypeStruct((BATCH * SEQ * DIM,), jnp.float32),
        scratch_types=[
            pltpu.VMEM((BATCH + LANES,), jnp.int32),
            pltpu.VMEM((CHUNK * DIM,), jnp.float32),
            pltpu.VMEM((CHUNK * DIM,), jnp.float32),
            pltpu.SemaphoreType.DMA,
        ],
    )
    def sc_positional(len_hbm, table_hbm, out_hbm, len_v, tab_v, fill_v, sem):
        cid = lax.axis_index("c")
        sid = lax.axis_index("s")
        wid = sid * NUM_CORES + cid
        t0 = wid * CHUNK

        pltpu.sync_copy(len_hbm, len_v.at[pl.ds(0, BATCH)])
        pltpu.sync_copy(table_hbm.at[pl.ds(t0 * DIM, CHUNK * DIM)], tab_v)
        pltpu.sync_copy(table_hbm.at[pl.ds(0, DIM)], fill_v.at[pl.ds(0, DIM)])
        row0 = [fill_v[pl.ds(g * LANES, LANES)] for g in range(DIM // LANES)]

        def fill_body(r, carry):
            for g in range(DIM // LANES):
                fill_v[pl.ds(r * DIM + g * LANES, LANES)] = row0[g]
            return carry

        lax.fori_loop(1, CHUNK, fill_body, 0)

        def batch_body(b, carry):
            blen = len_v[pl.ds(b, LANES)][0]
            split = jnp.clip(blen - t0, 0, CHUNK)
            base = b * SEQ + t0

            @pl.when(split == CHUNK)
            def _full():
                pltpu.async_copy(
                    tab_v, out_hbm.at[pl.ds(base * DIM, CHUNK * DIM)], sem)

            @pl.when(split == 0)
            def _fill():
                pltpu.async_copy(
                    fill_v, out_hbm.at[pl.ds(base * DIM, CHUNK * DIM)], sem)

            @pl.when((split > 0) & (split < CHUNK))
            def _boundary():
                pos = jnp.int32(0)
                for k in (64, 32, 16, 8, 4, 2, 1):
                    part = split & k

                    @pl.when(part != 0)
                    def _pre(pos=pos, k=k):
                        pltpu.async_copy(
                            tab_v.at[pl.ds(pos * DIM, k * DIM)],
                            out_hbm.at[pl.ds((base + pos) * DIM, k * DIM)],
                            sem)

                    pos = pos + part
                rem = CHUNK - split
                for k in (64, 32, 16, 8, 4, 2, 1):
                    part = rem & k

                    @pl.when(part != 0)
                    def _suf(pos=pos, k=k):
                        pltpu.async_copy(
                            fill_v.at[pl.ds(0, k * DIM)],
                            out_hbm.at[pl.ds((base + pos) * DIM, k * DIM)],
                            sem)

                    pos = pos + part

            return carry

        lax.fori_loop(0, BATCH, batch_body, 0)

        def drain_body(b, carry):
            pltpu.make_async_copy(
                out_hbm.at[pl.ds(0, CHUNK * DIM)], tab_v, sem).wait()
            return carry

        lax.fori_loop(0, BATCH, drain_body, 0)

    return sc_positional


_sc_call = _make_sc_call()


def kernel(batch_lengths, max_length, encoding_weight):
    lengths = jnp.minimum(batch_lengths.astype(jnp.int32), max_length)
    flat = _sc_call(lengths, encoding_weight.reshape(SEQ * DIM))
    return flat.reshape(BATCH, SEQ, DIM)

# --- scband reference (transcript-rebuilt; emitter-appended) ---
"""Pipeline reference for scband-positional-encoder-32942399160737 (READ-ONLY COPY).

The authoritative reference and input builder live on the scoring server;
editing this copy changes nothing except your own understanding.
"""

import jax, jax.numpy as jnp
import numpy as np

EMBEDDING_DIM = 128
MAX_SEQ_LEN = 4096
BATCH = 128
MAX_LENGTH = 4096


def _build_sinusoidal_table():
    position = np.arange(MAX_SEQ_LEN, dtype=np.float64)[:, None]
    idx = np.arange(EMBEDDING_DIM, dtype=np.float64)[None, :]
    weights = position / np.power(10000.0, 2.0 * np.floor(idx / 2.0) / EMBEDDING_DIM)
    weights[:, 0::2] = np.sin(weights[:, 0::2])
    weights[:, 1::2] = np.cos(weights[:, 1::2])
    return jnp.asarray(weights, dtype=jnp.float32)


def setup_inputs(seed: int = 0) -> dict:
    key = jax.random.key(seed)
    k1, _ = jax.random.split(key)
    batch_lengths = jax.random.randint(k1, (BATCH,), 0, MAX_LENGTH, dtype=jnp.int32)
    encoding_weight = _build_sinusoidal_table()
    return {"batch_lengths": batch_lengths, "max_length": MAX_LENGTH, "encoding_weight": encoding_weight}


def reference(batch_lengths, max_length, encoding_weight):
    # position_ids[b, t] = t if t < batch_lengths[b] else 0  (pad positions map to index 0)
    pos = jnp.arange(MAX_LENGTH, dtype=jnp.int32)
    valid = (pos[None, :] < batch_lengths[:, None]) & (pos[None, :] < max_length)
    position_ids = jnp.where(valid, pos[None, :], 0)
    # embedding lookup (gather rows of the sinusoidal table)
    return jnp.take(encoding_weight, position_ids, axis=0)

if __name__ == "__main__":
    import jax
    _d = setup_inputs()
    print(jax.jit(kernel)(*tuple(_d.values())))

</pallas_src>

<mosaic_0001>
#map = affine_map<(d0, d1) -> (0)>
module attributes {stable_mosaic.version = 14 : i64} {
  func.func @sc_positional(%arg0: i32, %arg1: i32, %arg2: memref<128xi32, #tpu.memory_space<hbm>>, %arg3: memref<524288xf32, #tpu.memory_space<hbm>>, %arg4: memref<67108864xf32, #tpu.memory_space<hbm>>, %arg5: memref<144xi32, #tpu.memory_space<vmem>>, %arg6: memref<16384xf32, #tpu.memory_space<vmem>>, %arg7: memref<16384xf32, #tpu.memory_space<vmem>>, %arg8: memref<!tpu.dma_semaphore, #tpu.memory_space<semaphore_mem>>) attributes {dimension_semantics = [#tpu.dimension_semantics<core_parallel>, #tpu.dimension_semantics<subcore_parallel>], iteration_bounds = array<i64: 2, 16>, scalar_prefetch = 0 : i64, scratch_operands = 4 : i64, tpu.core_type = #tpu.core_type<sc_vector_subcore>, window_params = [{transform_indices = #map}, {transform_indices = #map}, {transform_indices = #map}]} {
    %mul3A = arith.constant 2 : i32
    %mul3A_0 = arith.muli %arg1, %mul3A : i32
    %add3A = arith.addi %mul3A_0, %arg0 : i32
    %mul3A_1 = arith.constant 128 : i32
    %mul3A_2 = arith.muli %add3A, %mul3A_1 : i32
    "tpu.region"() ({
      %run_scoped3A = tpu.sem_alloc : memref<!tpu.dma_semaphore, #tpu.memory_space<semaphore_mem>>
      %dma_start3A = arith.constant 0 : i32
      %dma_start3A_45 = tpu.memref_slice %arg5[%dma_start3A] : memref<144xi32, #tpu.memory_space<vmem>> -> memref<128xi32, #tpu.memory_space<vmem>>
      %dma_start3A_46 = arith.constant 0 : i32
      %dma_start3A_47 = tpu.memref_slice %arg5[%dma_start3A_46] : memref<144xi32, #tpu.memory_space<vmem>> -> memref<128xi32, #tpu.memory_space<vmem>>
      tpu.enqueue_dma source(%arg2 : memref<128xi32, #tpu.memory_space<hbm>>) target(%dma_start3A_47 : memref<128xi32, #tpu.memory_space<vmem>>) target_semaphore(%run_scoped3A : memref<!tpu.dma_semaphore, #tpu.memory_space<semaphore_mem>>)
      %dma_wait3A = arith.constant 0 : i32
      %dma_wait3A_48 = tpu.memref_slice %arg5[%dma_wait3A] : memref<144xi32, #tpu.memory_space<vmem>> -> memref<128xi32, #tpu.memory_space<vmem>>
      %dma_wait3A_49 = arith.constant 0 : i32
      %dma_wait3A_50 = tpu.memref_slice %arg5[%dma_wait3A_49] : memref<144xi32, #tpu.memory_space<vmem>> -> memref<128xi32, #tpu.memory_space<vmem>>
      tpu.wait_dma2 semaphore(%run_scoped3A : memref<!tpu.dma_semaphore, #tpu.memory_space<semaphore_mem>>) src(%arg2 : memref<128xi32, #tpu.memory_space<hbm>>) dst(%dma_wait3A_50 : memref<128xi32, #tpu.memory_space<vmem>>)
      tpu.yield
    }) : () -> ()
    %mul3A_3 = arith.constant 128 : i32
    %mul3A_4 = arith.muli %mul3A_2, %mul3A_3 : i32
    "tpu.region"() ({
      %run_scoped3A = tpu.sem_alloc : memref<!tpu.dma_semaphore, #tpu.memory_space<semaphore_mem>>
      %dma_start3A = tpu.memref_slice %arg3[%mul3A_4] : memref<524288xf32, #tpu.memory_space<hbm>> -> memref<16384xf32, #tpu.memory_space<hbm>>
      %dma_start3A_45 = tpu.memref_slice %arg3[%mul3A_4] : memref<524288xf32, #tpu.memory_space<hbm>> -> memref<16384xf32, #tpu.memory_space<hbm>>
      tpu.enqueue_dma source(%dma_start3A_45 : memref<16384xf32, #tpu.memory_space<hbm>>) target(%arg6 : memref<16384xf32, #tpu.memory_space<vmem>>) target_semaphore(%run_scoped3A : memref<!tpu.dma_semaphore, #tpu.memory_space<semaphore_mem>>)
      %dma_wait3A = tpu.memref_slice %arg3[%mul3A_4] : memref<524288xf32, #tpu.memory_space<hbm>> -> memref<16384xf32, #tpu.memory_space<hbm>>
      %dma_wait3A_46 = tpu.memref_slice %arg3[%mul3A_4] : memref<524288xf32, #tpu.memory_space<hbm>> -> memref<16384xf32, #tpu.memory_space<hbm>>
      tpu.wait_dma2 semaphore(%run_scoped3A : memref<!tpu.dma_semaphore, #tpu.memory_space<semaphore_mem>>) src(%dma_wait3A_46 : memref<16384xf32, #tpu.memory_space<hbm>>) dst(%arg6 : memref<16384xf32, #tpu.memory_space<vmem>>)
      tpu.yield
    }) : () -> ()
    "tpu.region"() ({
      %run_scoped3A = tpu.sem_alloc : memref<!tpu.dma_semaphore, #tpu.memory_space<semaphore_mem>>
      %dma_start3A = arith.constant 0 : i32
      %dma_start3A_45 = tpu.memref_slice %arg7[%dma_start3A] : memref<16384xf32, #tpu.memory_space<vmem>> -> memref<128xf32, #tpu.memory_space<vmem>>
      %dma_start3A_46 = arith.constant 0 : i32
      %dma_start3A_47 = tpu.memref_slice %arg3[%dma_start3A_46] : memref<524288xf32, #tpu.memory_space<hbm>> -> memref<128xf32, #tpu.memory_space<hbm>>
      %dma_start3A_48 = arith.constant 0 : i32
      %dma_start3A_49 = tpu.memref_slice %arg7[%dma_start3A_48] : memref<16384xf32, #tpu.memory_space<vmem>> -> memref<128xf32, #tpu.memory_space<vmem>>
      %dma_start3A_50 = arith.constant 0 : i32
      %dma_start3A_51 = tpu.memref_slice %arg3[%dma_start3A_50] : memref<524288xf32, #tpu.memory_space<hbm>> -> memref<128xf32, #tpu.memory_space<hbm>>
      tpu.enqueue_dma source(%dma_start3A_51 : memref<128xf32, #tpu.memory_space<hbm>>) target(%dma_start3A_49 : memref<128xf32, #tpu.memory_space<vmem>>) target_semaphore(%run_scoped3A : memref<!tpu.dma_semaphore, #tpu.memory_space<semaphore_mem>>)
      %dma_wait3A = arith.constant 0 : i32
      %dma_wait3A_52 = tpu.memref_slice %arg7[%dma_wait3A] : memref<16384xf32, #tpu.memory_space<vmem>> -> memref<128xf32, #tpu.memory_space<vmem>>
      %dma_wait3A_53 = arith.constant 0 : i32
      %dma_wait3A_54 = tpu.memref_slice %arg3[%dma_wait3A_53] : memref<524288xf32, #tpu.memory_space<hbm>> -> memref<128xf32, #tpu.memory_space<hbm>>
      %dma_wait3A_55 = arith.constant 0 : i32
      %dma_wait3A_56 = tpu.memref_slice %arg7[%dma_wait3A_55] : memref<16384xf32, #tpu.memory_space<vmem>> -> memref<128xf32, #tpu.memory_space<vmem>>
      %dma_wait3A_57 = arith.constant 0 : i32
      %dma_wait3A_58 = tpu.memref_slice %arg3[%dma_wait3A_57] : memref<524288xf32, #tpu.memory_space<hbm>> -> memref<128xf32, #tpu.memory_space<hbm>>
      tpu.wait_dma2 semaphore(%run_scoped3A : memref<!tpu.dma_semaphore, #tpu.memory_space<semaphore_mem>>) src(%dma_wait3A_58 : memref<128xf32, #tpu.memory_space<hbm>>) dst(%dma_wait3A_56 : memref<128xf32, #tpu.memory_space<vmem>>)
      tpu.yield
    }) : () -> ()
    %get3A = arith.constant 0 : index
    %get3A_5 = tpu.vector_load %arg7[%get3A] {strides = array<i32>} : memref<16384xf32, #tpu.memory_space<vmem>>, vector<16xf32>,
    %get3A_6 = vector.shape_cast %get3A_5 : vector<16xf32> to vector<16xf32>
    %get3A_7 = arith.constant 16 : index
    %get3A_8 = tpu.vector_load %arg7[%get3A_7] {strides = array<i32>} : memref<16384xf32, #tpu.memory_space<vmem>>, vector<16xf32>,
    %get3A_9 = vector.shape_cast %get3A_8 : vector<16xf32> to vector<16xf32>
    %get3A_10 = arith.constant 32 : index
    %get3A_11 = tpu.vector_load %arg7[%get3A_10] {strides = array<i32>} : memref<16384xf32, #tpu.memory_space<vmem>>, vector<16xf32>,
    %get3A_12 = vector.shape_cast %get3A_11 : vector<16xf32> to vector<16xf32>
    %get3A_13 = arith.constant 48 : index
    %get3A_14 = tpu.vector_load %arg7[%get3A_13] {strides = array<i32>} : memref<16384xf32, #tpu.memory_space<vmem>>, vector<16xf32>,
    %get3A_15 = vector.shape_cast %get3A_14 : vector<16xf32> to vector<16xf32>
    %get3A_16 = arith.constant 64 : index
    %get3A_17 = tpu.vector_load %arg7[%get3A_16] {strides = array<i32>} : memref<16384xf32, #tpu.memory_space<vmem>>, vector<16xf32>,
    %get3A_18 = vector.shape_cast %get3A_17 : vector<16xf32> to vector<16xf32>
    %get3A_19 = arith.constant 80 : index
    %get3A_20 = tpu.vector_load %arg7[%get3A_19] {strides = array<i32>} : memref<16384xf32, #tpu.memory_space<vmem>>, vector<16xf32>,
    %get3A_21 = vector.shape_cast %get3A_20 : vector<16xf32> to vector<16xf32>
    %get3A_22 = arith.constant 96 : index
    %get3A_23 = tpu.vector_load %arg7[%get3A_22] {strides = array<i32>} : memref<16384xf32, #tpu.memory_space<vmem>>, vector<16xf32>,
    %get3A_24 = vector.shape_cast %get3A_23 : vector<16xf32> to vector<16xf32>
    %get3A_25 = arith.constant 112 : index
    %get3A_26 = tpu.vector_load %arg7[%get3A_25] {strides = array<i32>} : memref<16384xf32, #tpu.memory_space<vmem>>, vector<16xf32>,
    %get3A_27 = vector.shape_cast %get3A_26 : vector<16xf32> to vector<16xf32>
    %scan3A = arith.constant 0 : i32
    %scan3A_28 = arith.constant 1 : i32
    %scan3A_29 = arith.constant 127 : i32
    %scan3A_30 = arith.addi %scan3A_28, %scan3A_29 : i32
    %scan3A_31 = arith.constant 1 : i32
    scf.for %scan3A_45 = %scan3A_28 to %scan3A_30 step %scan3A_31  : i32 {
      %mul3A_46 = arith.constant 128 : i32
      %mul3A_47 = arith.muli %scan3A_45, %mul3A_46 : i32
      %add3A_48 = arith.constant 0 : i32
      %add3A_49 = arith.addi %mul3A_47, %add3A_48 : i32
      %swap3A = arith.index_cast %add3A_49 : i32 to index
      %swap3A_50 = tpu.vector_load %arg7[%swap3A] {strides = array<i32>} : memref<16384xf32, #tpu.memory_space<vmem>>, vector<16xf32>,
      %swap3A_51 = vector.shape_cast %swap3A_50 : vector<16xf32> to vector<16xf32>
      %swap3A_52 = vector.shape_cast %get3A_6 : vector<16xf32> to vector<16xf32>
      tpu.vector_store %arg7[%swap3A], %swap3A_52 {strides = array<i32>} : memref<16384xf32, #tpu.memory_space<vmem>>, vector<16xf32>,
      %mul3A_53 = arith.constant 128 : i32
      %mul3A_54 = arith.muli %scan3A_45, %mul3A_53 : i32
      %add3A_55 = arith.constant 16 : i32
      %add3A_56 = arith.addi %mul3A_54, %add3A_55 : i32
      %swap3A_57 = arith.index_cast %add3A_56 : i32 to index
      %swap3A_58 = tpu.vector_load %arg7[%swap3A_57] {strides = array<i32>} : memref<16384xf32, #tpu.memory_space<vmem>>, vector<16xf32>,
      %swap3A_59 = vector.shape_cast %swap3A_58 : vector<16xf32> to vector<16xf32>
      %swap3A_60 = vector.shape_cast %get3A_9 : vector<16xf32> to vector<16xf32>
      tpu.vector_store %arg7[%swap3A_57], %swap3A_60 {strides = array<i32>} : memref<16384xf32, #tpu.memory_space<vmem>>, vector<16xf32>,
      %mul3A_61 = arith.constant 128 : i32
      %mul3A_62 = arith.muli %scan3A_45, %mul3A_61 : i32
      %add3A_63 = arith.constant 32 : i32
      %add3A_64 = arith.addi %mul3A_62, %add3A_63 : i32
      %swap3A_65 = arith.index_cast %add3A_64 : i32 to index
      %swap3A_66 = tpu.vector_load %arg7[%swap3A_65] {strides = array<i32>} : memref<16384xf32, #tpu.memory_space<vmem>>, vector<16xf32>,
      %swap3A_67 = vector.shape_cast %swap3A_66 : vector<16xf32> to vector<16xf32>
      %swap3A_68 = vector.shape_cast %get3A_12 : vector<16xf32> to vector<16xf32>
      tpu.vector_store %arg7[%swap3A_65], %swap3A_68 {strides = array<i32>} : memref<16384xf32, #tpu.memory_space<vmem>>, vector<16xf32>,
      %mul3A_69 = arith.constant 128 : i32
      %mul3A_70 = arith.muli %scan3A_45, %mul3A_69 : i32
      %add3A_71 = arith.constant 48 : i32
      %add3A_72 = arith.addi %mul3A_70, %add3A_71 : i32
      %swap3A_73 = arith.index_cast %add3A_72 : i32 to index
      %swap3A_74 = tpu.vector_load %arg7[%swap3A_73] {strides = array<i32>} : memref<16384xf32, #tpu.memory_space<vmem>>, vector<16xf32>,
      %swap3A_75 = vector.shape_cast %swap3A_74 : vector<16xf32> to vector<16xf32>
      %swap3A_76 = vector.shape_cast %get3A_15 : vector<16xf32> to vector<16xf32>
      tpu.vector_store %arg7[%swap3A_73], %swap3A_76 {strides = array<i32>} : memref<16384xf32, #tpu.memory_space<vmem>>, vector<16xf32>,
      %mul3A_77 = arith.constant 128 : i32
      %mul3A_78 = arith.muli %scan3A_45, %mul3A_77 : i32
      %add3A_79 = arith.constant 64 : i32
      %add3A_80 = arith.addi %mul3A_78, %add3A_79 : i32
      %swap3A_81 = arith.index_cast %add3A_80 : i32 to index
      %swap3A_82 = tpu.vector_load %arg7[%swap3A_81] {strides = array<i32>} : memref<16384xf32, #tpu.memory_space<vmem>>, vector<16xf32>,
      %swap3A_83 = vector.shape_cast %swap3A_82 : vector<16xf32> to vector<16xf32>
      %swap3A_84 = vector.shape_cast %get3A_18 : vector<16xf32> to vector<16xf32>
      tpu.vector_store %arg7[%swap3A_81], %swap3A_84 {strides = array<i32>} : memref<16384xf32, #tpu.memory_space<vmem>>, vector<16xf32>,
      %mul3A_85 = arith.constant 128 : i32
      %mul3A_86 = arith.muli %scan3A_45, %mul3A_85 : i32
      %add3A_87 = arith.constant 80 : i32
      %add3A_88 = arith.addi %mul3A_86, %add3A_87 : i32
      %swap3A_89 = arith.index_cast %add3A_88 : i32 to index
      %swap3A_90 = tpu.vector_load %arg7[%swap3A_89] {strides = array<i32>} : memref<16384xf32, #tpu.memory_space<vmem>>, vector<16xf32>,
      %swap3A_91 = vector.shape_cast %swap3A_90 : vector<16xf32> to vector<16xf32>
      %swap3A_92 = vector.shape_cast %get3A_21 : vector<16xf32> to vector<16xf32>
      tpu.vector_store %arg7[%swap3A_89], %swap3A_92 {strides = array<i32>} : memref<16384xf32, #tpu.memory_space<vmem>>, vector<16xf32>,
      %mul3A_93 = arith.constant 128 : i32
      %mul3A_94 = arith.muli %scan3A_45, %mul3A_93 : i32
      %add3A_95 = arith.constant 96 : i32
      %add3A_96 = arith.addi %mul3A_94, %add3A_95 : i32
      %swap3A_97 = arith.index_cast %add3A_96 : i32 to index
      %swap3A_98 = tpu.vector_load %arg7[%swap3A_97] {strides = array<i32>} : memref<16384xf32, #tpu.memory_space<vmem>>, vector<16xf32>,
      %swap3A_99 = vector.shape_cast %swap3A_98 : vector<16xf32> to vector<16xf32>
      %swap3A_100 = vector.shape_cast %get3A_24 : vector<16xf32> to vector<16xf32>
      tpu.vector_store %arg7[%swap3A_97], %swap3A_100 {strides = array<i32>} : memref<16384xf32, #tpu.memory_space<vmem>>, vector<16xf32>,
      %mul3A_101 = arith.constant 128 : i32
      %mul3A_102 = arith.muli %scan3A_45, %mul3A_101 : i32
      %add3A_103 = arith.constant 112 : i32
      %add3A_104 = arith.addi %mul3A_102, %add3A_103 : i32
      %swap3A_105 = arith.index_cast %add3A_104 : i32 to index
      %swap3A_106 = tpu.vector_load %arg7[%swap3A_105] {strides = array<i32>} : memref<16384xf32, #tpu.memory_space<vmem>>, vector<16xf32>,
      %swap3A_107 = vector.shape_cast %swap3A_106 : vector<16xf32> to vector<16xf32>
      %swap3A_108 = vector.shape_cast %get3A_27 : vector<16xf32> to vector<16xf32>
      tpu.vector_store %arg7[%swap3A_105], %swap3A_108 {strides = array<i32>} : memref<16384xf32, #tpu.memory_space<vmem>>, vector<16xf32>,
    }
    %scan3A_32 = arith.constant 127 : i32
    %scan3A_33 = arith.constant 0 : i32
    %scan3A_34 = arith.constant 0 : i32
    %scan3A_35 = arith.constant 128 : i32
    %scan3A_36 = arith.addi %scan3A_34, %scan3A_35 : i32
    %scan3A_37 = arith.constant 1 : i32
    scf.for %scan3A_45 = %scan3A_34 to %scan3A_36 step %scan3A_37  : i32 {
      %get3A_46 = arith.index_cast %scan3A_45 : i32 to index
      %get3A_47 = tpu.vector_load %arg5[%get3A_46] {strides = array<i32>} : memref<144xi32, #tpu.memory_space<vmem>>, vector<16xi32>,
      %get3A_48 = vector.shape_cast %get3A_47 : vector<16xi32> to vector<16xi32>
      %slice3A = vector.extract_strided_slice %get3A_48 {offsets = [0], sizes = [1], strides = [1]} : vector<16xi32> to vector<1xi32>
      %squeeze3A = vector.extract %slice3A[0] : i32 from vector<1xi32>
      %sub3A = arith.subi %squeeze3A, %mul3A_2 : i32
      %jit3A = arith.constant 0 : i32
      %jit3A_49 = arith.constant 128 : i32
      %max3A = arith.maxsi %jit3A, %sub3A : i32
      %min3A = arith.minsi %jit3A_49, %max3A : i32
      %mul3A_50 = arith.constant 4096 : i32
      %mul3A_51 = arith.muli %scan3A_45, %mul3A_50 : i32
      %add3A_52 = arith.addi %mul3A_51, %mul3A_2 : i32
      %eq3A = arith.constant 128 : i32
      %eq3A_53 = arith.cmpi eq, %min3A, %eq3A : i32
      %convert_element_type3A = arith.extui %eq3A_53 : i1 to i32
      %cond3A = arith.constant 0 : i32
      %cond3A_54 = arith.cmpi ne, %convert_element_type3A, %cond3A : i32
      scf.if %cond3A_54 {
        %mul3A_65 = arith.constant 128 : i32
        %mul3A_66 = arith.muli %add3A_52, %mul3A_65 : i32
        %dma_start3A = tpu.memref_slice %arg4[%mul3A_66] : memref<67108864xf32, #tpu.memory_space<hbm>> -> memref<16384xf32, #tpu.memory_space<hbm>>
        %dma_start3A_67 = tpu.memref_slice %arg4[%mul3A_66] : memref<67108864xf32, #tpu.memory_space<hbm>> -> memref<16384xf32, #tpu.memory_space<hbm>>
        tpu.enqueue_dma source(%arg6 : memref<16384xf32, #tpu.memory_space<vmem>>) target(%dma_start3A_67 : memref<16384xf32, #tpu.memory_space<hbm>>) target_semaphore(%arg8 : memref<!tpu.dma_semaphore, #tpu.memory_space<semaphore_mem>>)
      } else {
      }
      %eq3A_55 = arith.constant 0 : i32
      %eq3A_56 = arith.cmpi eq, %min3A, %eq3A_55 : i32
      %convert_element_type3A_57 = arith.extui %eq3A_56 : i1 to i32
      %cond3A_58 = arith.constant 0 : i32
      %cond3A_59 = arith.cmpi ne, %convert_element_type3A_57, %cond3A_58 : i32
      scf.if %cond3A_59 {
        %mul3A_65 = arith.constant 128 : i32
        %mul3A_66 = arith.muli %add3A_52, %mul3A_65 : i32
        %dma_start3A = tpu.memref_slice %arg4[%mul3A_66] : memref<67108864xf32, #tpu.memory_space<hbm>> -> memref<16384xf32, #tpu.memory_space<hbm>>
        %dma_start3A_67 = tpu.memref_slice %arg4[%mul3A_66] : memref<67108864xf32, #tpu.memory_space<hbm>> -> memref<16384xf32, #tpu.memory_space<hbm>>
        tpu.enqueue_dma source(%arg7 : memref<16384xf32, #tpu.memory_space<vmem>>) target(%dma_start3A_67 : memref<16384xf32, #tpu.memory_space<hbm>>) target_semaphore(%arg8 : memref<!tpu.dma_semaphore, #tpu.memory_space<semaphore_mem>>)
      } else {
      }
      %gt3A = arith.constant 0 : i32
      %gt3A_60 = arith.cmpi sgt, %min3A, %gt3A : i32
      %lt3A = arith.constant 128 : i32
      %lt3A_61 = arith.cmpi slt, %min3A, %lt3A : i32
      %and3A = arith.andi %gt3A_60, %lt3A_61 : i1
      %convert_element_type3A_62 = arith.extui %and3A : i1 to i32
      %cond3A_63 = arith.constant 0 : i32
      %cond3A_64 = arith.cmpi ne, %convert_element_type3A_62, %cond3A_63 : i32
      scf.if %cond3A_64 {
        %and3A_65 = arith.constant 64 : i32
        %and3A_66 = arith.andi %min3A, %and3A_65 : i32
        %ne3A = arith.constant 0 : i32
        %ne3A_67 = arith.cmpi ne, %and3A_66, %ne3A : i32
        %convert_element_type3A_68 = arith.extui %ne3A_67 : i1 to i32
        %cond3A_69 = arith.constant 0 : i32
        %cond3A_70 = arith.constant 0 : i32
        %cond3A_71 = arith.cmpi ne, %convert_element_type3A_68, %cond3A_70 : i32
        scf.if %cond3A_71 {
          %mul3A_180 = arith.constant 128 : i32
          %mul3A_181 = arith.muli %cond3A_69, %mul3A_180 : i32
          %add3A_182 = arith.addi %add3A_52, %cond3A_69 : i32
          %mul3A_183 = arith.constant 128 : i32
          %mul3A_184 = arith.muli %add3A_182, %mul3A_183 : i32
          %dma_start3A = tpu.memref_slice %arg6[%mul3A_181] : memref<16384xf32, #tpu.memory_space<vmem>> -> memref<8192xf32, #tpu.memory_space<vmem>>
          %dma_start3A_185 = tpu.memref_slice %arg4[%mul3A_184] : memref<67108864xf32, #tpu.memory_space<hbm>> -> memref<8192xf32, #tpu.memory_space<hbm>>
          %dma_start3A_186 = tpu.memref_slice %arg4[%mul3A_184] : memref<67108864xf32, #tpu.memory_space<hbm>> -> memref<8192xf32, #tpu.memory_space<hbm>>
          %dma_start3A_187 = tpu.memref_slice %arg6[%mul3A_181] : memref<16384xf32, #tpu.memory_space<vmem>> -> memref<8192xf32, #tpu.memory_space<vmem>>
          tpu.enqueue_dma source(%dma_start3A_187 : memref<8192xf32, #tpu.memory_space<vmem>>) target(%dma_start3A_186 : memref<8192xf32, #tpu.memory_space<hbm>>) target_semaphore(%arg8 : memref<!tpu.dma_semaphore, #tpu.memory_space<semaphore_mem>>)
        } else {
        }
        %add3A_72 = arith.constant 0 : i32
        %add3A_73 = arith.addi %add3A_72, %and3A_66 : i32
        %and3A_74 = arith.constant 32 : i32
        %and3A_75 = arith.andi %min3A, %and3A_74 : i32
        %ne3A_76 = arith.constant 0 : i32
        %ne3A_77 = arith.cmpi ne, %and3A_75, %ne3A_76 : i32
        %convert_element_type3A_78 = arith.extui %ne3A_77 : i1 to i32
        %cond3A_79 = arith.constant 0 : i32
        %cond3A_80 = arith.cmpi ne, %convert_element_type3A_78, %cond3A_79 : i32
        scf.if %cond3A_80 {
          %mul3A_180 = arith.constant 128 : i32
          %mul3A_181 = arith.muli %add3A_73, %mul3A_180 : i32
          %add3A_182 = arith.addi %add3A_52, %add3A_73 : i32
          %mul3A_183 = arith.constant 128 : i32
          %mul3A_184 = arith.muli %add3A_182, %mul3A_183 : i32
          %dma_start3A = tpu.memref_slice %arg6[%mul3A_181] : memref<16384xf32, #tpu.memory_space<vmem>> -> memref<4096xf32, #tpu.memory_space<vmem>>
          %dma_start3A_185 = tpu.memref_slice %arg4[%mul3A_184] : memref<67108864xf32, #tpu.memory_space<hbm>> -> memref<4096xf32, #tpu.memory_space<hbm>>
          %dma_start3A_186 = tpu.memref_slice %arg4[%mul3A_184] : memref<67108864xf32, #tpu.memory_space<hbm>> -> memref<4096xf32, #tpu.memory_space<hbm>>
          %dma_start3A_187 = tpu.memref_slice %arg6[%mul3A_181] : memref<16384xf32, #tpu.memory_space<vmem>> -> memref<4096xf32, #tpu.memory_space<vmem>>
          tpu.enqueue_dma source(%dma_start3A_187 : memref<4096xf32, #tpu.memory_space<vmem>>) target(%dma_start3A_186 : memref<4096xf32, #tpu.memory_space<hbm>>) target_semaphore(%arg8 : memref<!tpu.dma_semaphore, #tpu.memory_space<semaphore_mem>>)
        } else {
        }
        %add3A_81 = arith.addi %add3A_73, %and3A_75 : i32
        %and3A_82 = arith.constant 16 : i32
        %and3A_83 = arith.andi %min3A, %and3A_82 : i32
        %ne3A_84 = arith.constant 0 : i32
        %ne3A_85 = arith.cmpi ne, %and3A_83, %ne3A_84 : i32
        %convert_element_type3A_86 = arith.extui %ne3A_85 : i1 to i32
        %cond3A_87 = arith.constant 0 : i32
        %cond3A_88 = arith.cmpi ne, %convert_element_type3A_86, %cond3A_87 : i32
        scf.if %cond3A_88 {
          %mul3A_180 = arith.constant 128 : i32
          %mul3A_181 = arith.muli %add3A_81, %mul3A_180 : i32
          %add3A_182 = arith.addi %add3A_52, %add3A_81 : i32
          %mul3A_183 = arith.constant 128 : i32
          %mul3A_184 = arith.muli %add3A_182, %mul3A_183 : i32
          %dma_start3A = tpu.memref_slice %arg6[%mul3A_181] : memref<16384xf32, #tpu.memory_space<vmem>> -> memref<2048xf32, #tpu.memory_space<vmem>>
          %dma_start3A_185 = tpu.memref_slice %arg4[%mul3A_184] : memref<67108864xf32, #tpu.memory_space<hbm>> -> memref<2048xf32, #tpu.memory_space<hbm>>
          %dma_start3A_186 = tpu.memref_slice %arg4[%mul3A_184] : memref<67108864xf32, #tpu.memory_space<hbm>> -> memref<2048xf32, #tpu.memory_space<hbm>>
          %dma_start3A_187 = tpu.memref_slice %arg6[%mul3A_181] : memref<16384xf32, #tpu.memory_space<vmem>> -> memref<2048xf32, #tpu.memory_space<vmem>>
          tpu.enqueue_dma source(%dma_start3A_187 : memref<2048xf32, #tpu.memory_space<vmem>>) target(%dma_start3A_186 : memref<2048xf32, #tpu.memory_space<hbm>>) target_semaphore(%arg8 : memref<!tpu.dma_semaphore, #tpu.memory_space<semaphore_mem>>)
        } else {
        }
        %add3A_89 = arith.addi %add3A_81, %and3A_83 : i32
        %and3A_90 = arith.constant 8 : i32
        %and3A_91 = arith.andi %min3A, %and3A_90 : i32
        %ne3A_92 = arith.constant 0 : i32
        %ne3A_93 = arith.cmpi ne, %and3A_91, %ne3A_92 : i32
        %convert_element_type3A_94 = arith.extui %ne3A_93 : i1 to i32
        %cond3A_95 = arith.constant 0 : i32
        %cond3A_96 = arith.cmpi ne, %convert_element_type3A_94, %cond3A_95 : i32
        scf.if %cond3A_96 {
          %mul3A_180 = arith.constant 128 : i32
          %mul3A_181 = arith.muli %add3A_89, %mul3A_180 : i32
          %add3A_182 = arith.addi %add3A_52, %add3A_89 : i32
          %mul3A_183 = arith.constant 128 : i32
          %mul3A_184 = arith.muli %add3A_182, %mul3A_183 : i32
          %dma_start3A = tpu.memref_slice %arg6[%mul3A_181] : memref<16384xf32, #tpu.memory_space<vmem>> -> memref<1024xf32, #tpu.memory_space<vmem>>
          %dma_start3A_185 = tpu.memref_slice %arg4[%mul3A_184] : memref<67108864xf32, #tpu.memory_space<hbm>> -> memref<1024xf32, #tpu.memory_space<hbm>>
          %dma_start3A_186 = tpu.memref_slice %arg4[%mul3A_184] : memref<67108864xf32, #tpu.memory_space<hbm>> -> memref<1024xf32, #tpu.memory_space<hbm>>
          %dma_start3A_187 = tpu.memref_slice %arg6[%mul3A_181] : memref<16384xf32, #tpu.memory_space<vmem>> -> memref<1024xf32, #tpu.memory_space<vmem>>
          tpu.enqueue_dma source(%dma_start3A_187 : memref<1024xf32, #tpu.memory_space<vmem>>) target(%dma_start3A_186 : memref<1024xf32, #tpu.memory_space<hbm>>) target_semaphore(%arg8 : memref<!tpu.dma_semaphore, #tpu.memory_space<semaphore_mem>>)
        } else {
        }
        %add3A_97 = arith.addi %add3A_89, %and3A_91 : i32
        %and3A_98 = arith.constant 4 : i32
        %and3A_99 = arith.andi %min3A, %and3A_98 : i32
        %ne3A_100 = arith.constant 0 : i32
        %ne3A_101 = arith.cmpi ne, %and3A_99, %ne3A_100 : i32
        %convert_element_type3A_102 = arith.extui %ne3A_101 : i1 to i32
        %cond3A_103 = arith.constant 0 : i32
        %cond3A_104 = arith.cmpi ne, %convert_element_type3A_102, %cond3A_103 : i32
        scf.if %cond3A_104 {
          %mul3A_180 = arith.constant 128 : i32
          %mul3A_181 = arith.muli %add3A_97, %mul3A_180 : i32
          %add3A_182 = arith.addi %add3A_52, %add3A_97 : i32
          %mul3A_183 = arith.constant 128 : i32
          %mul3A_184 = arith.muli %add3A_182, %mul3A_183 : i32
          %dma_start3A = tpu.memref_slice %arg6[%mul3A_181] : memref<16384xf32, #tpu.memory_space<vmem>> -> memref<512xf32, #tpu.memory_space<vmem>>
          %dma_start3A_185 = tpu.memref_slice %arg4[%mul3A_184] : memref<67108864xf32, #tpu.memory_space<hbm>> -> memref<512xf32, #tpu.memory_space<hbm>>
          %dma_start3A_186 = tpu.memref_slice %arg4[%mul3A_184] : memref<67108864xf32, #tpu.memory_space<hbm>> -> memref<512xf32, #tpu.memory_space<hbm>>
          %dma_start3A_187 = tpu.memref_slice %arg6[%mul3A_181] : memref<16384xf32, #tpu.memory_space<vmem>> -> memref<512xf32, #tpu.memory_space<vmem>>
          tpu.enqueue_dma source(%dma_start3A_187 : memref<512xf32, #tpu.memory_space<vmem>>) target(%dma_start3A_186 : memref<512xf32, #tpu.memory_space<hbm>>) target_semaphore(%arg8 : memref<!tpu.dma_semaphore, #tpu.memory_space<semaphore_mem>>)
        } else {
        }
        %add3A_105 = arith.addi %add3A_97, %and3A_99 : i32
        %and3A_106 = arith.constant 2 : i32
        %and3A_107 = arith.andi %min3A, %and3A_106 : i32
        %ne3A_108 = arith.constant 0 : i32
        %ne3A_109 = arith.cmpi ne, %and3A_107, %ne3A_108 : i32
        %convert_element_type3A_110 = arith.extui %ne3A_109 : i1 to i32
        %cond3A_111 = arith.constant 0 : i32
        %cond3A_112 = arith.cmpi ne, %convert_element_type3A_110, %cond3A_111 : i32
        scf.if %cond3A_112 {
          %mul3A_180 = arith.constant 128 : i32
          %mul3A_181 = arith.muli %add3A_105, %mul3A_180 : i32
          %add3A_182 = arith.addi %add3A_52, %add3A_105 : i32
          %mul3A_183 = arith.constant 128 : i32
          %mul3A_184 = arith.muli %add3A_182, %mul3A_183 : i32
          %dma_start3A = tpu.memref_slice %arg6[%mul3A_181] : memref<16384xf32, #tpu.memory_space<vmem>> -> memref<256xf32, #tpu.memory_space<vmem>>
          %dma_start3A_185 = tpu.memref_slice %arg4[%mul3A_184] : memref<67108864xf32, #tpu.memory_space<hbm>> -> memref<256xf32, #tpu.memory_space<hbm>>
          %dma_start3A_186 = tpu.memref_slice %arg4[%mul3A_184] : memref<67108864xf32, #tpu.memory_space<hbm>> -> memref<256xf32, #tpu.memory_space<hbm>>
          %dma_start3A_187 = tpu.memref_slice %arg6[%mul3A_181] : memref<16384xf32, #tpu.memory_space<vmem>> -> memref<256xf32, #tpu.memory_space<vmem>>
          tpu.enqueue_dma source(%dma_start3A_187 : memref<256xf32, #tpu.memory_space<vmem>>) target(%dma_start3A_186 : memref<256xf32, #tpu.memory_space<hbm>>) target_semaphore(%arg8 : memref<!tpu.dma_semaphore, #tpu.memory_space<semaphore_mem>>)
        } else {
        }
        %add3A_113 = arith.addi %add3A_105, %and3A_107 : i32
        %and3A_114 = arith.constant 1 : i32
        %and3A_115 = arith.andi %min3A, %and3A_114 : i32
        %ne3A_116 = arith.constant 0 : i32
        %ne3A_117 = arith.cmpi ne, %and3A_115, %ne3A_116 : i32
        %convert_element_type3A_118 = arith.extui %ne3A_117 : i1 to i32
        %cond3A_119 = arith.constant 0 : i32
        %cond3A_120 = arith.cmpi ne, %convert_element_type3A_118, %cond3A_119 : i32
        scf.if %cond3A_120 {
          %mul3A_180 = arith.constant 128 : i32
          %mul3A_181 = arith.muli %add3A_113, %mul3A_180 : i32
          %add3A_182 = arith.addi %add3A_52, %add3A_113 : i32
          %mul3A_183 = arith.constant 128 : i32
          %mul3A_184 = arith.muli %add3A_182, %mul3A_183 : i32
          %dma_start3A = tpu.memref_slice %arg6[%mul3A_181] : memref<16384xf32, #tpu.memory_space<vmem>> -> memref<128xf32, #tpu.memory_space<vmem>>
          %dma_start3A_185 = tpu.memref_slice %arg4[%mul3A_184] : memref<67108864xf32, #tpu.memory_space<hbm>> -> memref<128xf32, #tpu.memory_space<hbm>>
          %dma_start3A_186 = tpu.memref_slice %arg4[%mul3A_184] : memref<67108864xf32, #tpu.memory_space<hbm>> -> memref<128xf32, #tpu.memory_space<hbm>>
          %dma_start3A_187 = tpu.memref_slice %arg6[%mul3A_181] : memref<16384xf32, #tpu.memory_space<vmem>> -> memref<128xf32, #tpu.memory_space<vmem>>
          tpu.enqueue_dma source(%dma_start3A_187 : memref<128xf32, #tpu.memory_space<vmem>>) target(%dma_start3A_186 : memref<128xf32, #tpu.memory_space<hbm>>) target_semaphore(%arg8 : memref<!tpu.dma_semaphore, #tpu.memory_space<semaphore_mem>>)
        } else {
        }
        %add3A_121 = arith.addi %add3A_113, %and3A_115 : i32
        %sub3A_122 = arith.constant 128 : i32
        %sub3A_123 = arith.subi %sub3A_122, %min3A : i32
        %and3A_124 = arith.constant 64 : i32
        %and3A_125 = arith.andi %sub3A_123, %and3A_124 : i32
        %ne3A_126 = arith.constant 0 : i32
        %ne3A_127 = arith.cmpi ne, %and3A_125, %ne3A_126 : i32
        %convert_element_type3A_128 = arith.extui %ne3A_127 : i1 to i32
        %cond3A_129 = arith.constant 0 : i32
        %cond3A_130 = arith.cmpi ne, %convert_element_type3A_128, %cond3A_129 : i32
        scf.if %cond3A_130 {
          %add3A_180 = arith.addi %add3A_52, %add3A_121 : i32
          %mul3A_181 = arith.constant 128 : i32
          %mul3A_182 = arith.muli %add3A_180, %mul3A_181 : i32
          %dma_start3A = arith.constant 0 : i32
          %dma_start3A_183 = tpu.memref_slice %arg7[%dma_start3A] : memref<16384xf32, #tpu.memory_space<vmem>> -> memref<8192xf32, #tpu.memory_space<vmem>>
          %dma_start3A_184 = tpu.memref_slice %arg4[%mul3A_182] : memref<67108864xf32, #tpu.memory_space<hbm>> -> memref<8192xf32, #tpu.memory_space<hbm>>
          %dma_start3A_185 = tpu.memref_slice %arg4[%mul3A_182] : memref<67108864xf32, #tpu.memory_space<hbm>> -> memref<8192xf32, #tpu.memory_space<hbm>>
          %dma_start3A_186 = arith.constant 0 : i32
          %dma_start3A_187 = tpu.memref_slice %arg7[%dma_start3A_186] : memref<16384xf32, #tpu.memory_space<vmem>> -> memref<8192xf32, #tpu.memory_space<vmem>>
          tpu.enqueue_dma source(%dma_start3A_187 : memref<8192xf32, #tpu.memory_space<vmem>>) target(%dma_start3A_185 : memref<8192xf32, #tpu.memory_space<hbm>>) target_semaphore(%arg8 : memref<!tpu.dma_semaphore, #tpu.memory_space<semaphore_mem>>)
        } else {
        }
        %add3A_131 = arith.addi %add3A_121, %and3A_125 : i32
        %and3A_132 = arith.constant 32 : i32
        %and3A_133 = arith.andi %sub3A_123, %and3A_132 : i32
        %ne3A_134 = arith.constant 0 : i32
        %ne3A_135 = arith.cmpi ne, %and3A_133, %ne3A_134 : i32
        %convert_element_type3A_136 = arith.extui %ne3A_135 : i1 to i32
        %cond3A_137 = arith.constant 0 : i32
        %cond3A_138 = arith.cmpi ne, %convert_element_type3A_136, %cond3A_137 : i32
        scf.if %cond3A_138 {
          %add3A_180 = arith.addi %add3A_52, %add3A_131 : i32
          %mul3A_181 = arith.constant 128 : i32
          %mul3A_182 = arith.muli %add3A_180, %mul3A_181 : i32
          %dma_start3A = arith.constant 0 : i32
          %dma_start3A_183 = tpu.memref_slice %arg7[%dma_start3A] : memref<16384xf32, #tpu.memory_space<vmem>> -> memref<4096xf32, #tpu.memory_space<vmem>>
          %dma_start3A_184 = tpu.memref_slice %arg4[%mul3A_182] : memref<67108864xf32, #tpu.memory_space<hbm>> -> memref<4096xf32, #tpu.memory_space<hbm>>
          %dma_start3A_185 = tpu.memref_slice %arg4[%mul3A_182] : memref<67108864xf32, #tpu.memory_space<hbm>> -> memref<4096xf32, #tpu.memory_space<hbm>>
          %dma_start3A_186 = arith.constant 0 : i32
          %dma_start3A_187 = tpu.memref_slice %arg7[%dma_start3A_186] : memref<16384xf32, #tpu.memory_space<vmem>> -> memref<4096xf32, #tpu.memory_space<vmem>>
          tpu.enqueue_dma source(%dma_start3A_187 : memref<4096xf32, #tpu.memory_space<vmem>>) target(%dma_start3A_185 : memref<4096xf32, #tpu.memory_space<hbm>>) target_semaphore(%arg8 : memref<!tpu.dma_semaphore, #tpu.memory_space<semaphore_mem>>)
        } else {
        }
        %add3A_139 = arith.addi %add3A_131, %and3A_133 : i32
        %and3A_140 = arith.constant 16 : i32
        %and3A_141 = arith.andi %sub3A_123, %and3A_140 : i32
        %ne3A_142 = arith.constant 0 : i32
        %ne3A_143 = arith.cmpi ne, %and3A_141, %ne3A_142 : i32
        %convert_element_type3A_144 = arith.extui %ne3A_143 : i1 to i32
        %cond3A_145 = arith.constant 0 : i32
        %cond3A_146 = arith.cmpi ne, %convert_element_type3A_144, %cond3A_145 : i32
        scf.if %cond3A_146 {
          %add3A_180 = arith.addi %add3A_52, %add3A_139 : i32
          %mul3A_181 = arith.constant 128 : i32
          %mul3A_182 = arith.muli %add3A_180, %mul3A_181 : i32
          %dma_start3A = arith.constant 0 : i32
          %dma_start3A_183 = tpu.memref_slice %arg7[%dma_start3A] : memref<16384xf32, #tpu.memory_space<vmem>> -> memref<2048xf32, #tpu.memory_space<vmem>>
          %dma_start3A_184 = tpu.memref_slice %arg4[%mul3A_182] : memref<67108864xf32, #tpu.memory_space<hbm>> -> memref<2048xf32, #tpu.memory_space<hbm>>
          %dma_start3A_185 = tpu.memref_slice %arg4[%mul3A_182] : memref<67108864xf32, #tpu.memory_space<hbm>> -> memref<2048xf32, #tpu.memory_space<hbm>>
          %dma_start3A_186 = arith.constant 0 : i32
          %dma_start3A_187 = tpu.memref_slice %arg7[%dma_start3A_186] : memref<16384xf32, #tpu.memory_space<vmem>> -> memref<2048xf32, #tpu.memory_space<vmem>>
          tpu.enqueue_dma source(%dma_start3A_187 : memref<2048xf32, #tpu.memory_space<vmem>>) target(%dma_start3A_185 : memref<2048xf32, #tpu.memory_space<hbm>>) target_semaphore(%arg8 : memref<!tpu.dma_semaphore, #tpu.memory_space<semaphore_mem>>)
        } else {
        }
        %add3A_147 = arith.addi %add3A_139, %and3A_141 : i32
        %and3A_148 = arith.constant 8 : i32
        %and3A_149 = arith.andi %sub3A_123, %and3A_148 : i32
        %ne3A_150 = arith.constant 0 : i32
        %ne3A_151 = arith.cmpi ne, %and3A_149, %ne3A_150 : i32
        %convert_element_type3A_152 = arith.extui %ne3A_151 : i1 to i32
        %cond3A_153 = arith.constant 0 : i32
        %cond3A_154 = arith.cmpi ne, %convert_element_type3A_152, %cond3A_153 : i32
        scf.if %cond3A_154 {
          %add3A_180 = arith.addi %add3A_52, %add3A_147 : i32
          %mul3A_181 = arith.constant 128 : i32
          %mul3A_182 = arith.muli %add3A_180, %mul3A_181 : i32
          %dma_start3A = arith.constant 0 : i32
          %dma_start3A_183 = tpu.memref_slice %arg7[%dma_start3A] : memref<16384xf32, #tpu.memory_space<vmem>> -> memref<1024xf32, #tpu.memory_space<vmem>>
          %dma_start3A_184 = tpu.memref_slice %arg4[%mul3A_182] : memref<67108864xf32, #tpu.memory_space<hbm>> -> memref<1024xf32, #tpu.memory_space<hbm>>
          %dma_start3A_185 = tpu.memref_slice %arg4[%mul3A_182] : memref<67108864xf32, #tpu.memory_space<hbm>> -> memref<1024xf32, #tpu.memory_space<hbm>>
          %dma_start3A_186 = arith.constant 0 : i32
          %dma_start3A_187 = tpu.memref_slice %arg7[%dma_start3A_186] : memref<16384xf32, #tpu.memory_space<vmem>> -> memref<1024xf32, #tpu.memory_space<vmem>>
          tpu.enqueue_dma source(%dma_start3A_187 : memref<1024xf32, #tpu.memory_space<vmem>>) target(%dma_start3A_185 : memref<1024xf32, #tpu.memory_space<hbm>>) target_semaphore(%arg8 : memref<!tpu.dma_semaphore, #tpu.memory_space<semaphore_mem>>)
        } else {
        }
        %add3A_155 = arith.addi %add3A_147, %and3A_149 : i32
        %and3A_156 = arith.constant 4 : i32
        %and3A_157 = arith.andi %sub3A_123, %and3A_156 : i32
        %ne3A_158 = arith.constant 0 : i32
        %ne3A_159 = arith.cmpi ne, %and3A_157, %ne3A_158 : i32
        %convert_element_type3A_160 = arith.extui %ne3A_159 : i1 to i32
        %cond3A_161 = arith.constant 0 : i32
        %cond3A_162 = arith.cmpi ne, %convert_element_type3A_160, %cond3A_161 : i32
        scf.if %cond3A_162 {
          %add3A_180 = arith.addi %add3A_52, %add3A_155 : i32
          %mul3A_181 = arith.constant 128 : i32
          %mul3A_182 = arith.muli %add3A_180, %mul3A_181 : i32
          %dma_start3A = arith.constant 0 : i32
          %dma_start3A_183 = tpu.memref_slice %arg7[%dma_start3A] : memref<16384xf32, #tpu.memory_space<vmem>> -> memref<512xf32, #tpu.memory_space<vmem>>
          %dma_start3A_184 = tpu.memref_slice %arg4[%mul3A_182] : memref<67108864xf32, #tpu.memory_space<hbm>> -> memref<512xf32, #tpu.memory_space<hbm>>
          %dma_start3A_185 = tpu.memref_slice %arg4[%mul3A_182] : memref<67108864xf32, #tpu.memory_space<hbm>> -> memref<512xf32, #tpu.memory_space<hbm>>
          %dma_start3A_186 = arith.constant 0 : i32
          %dma_start3A_187 = tpu.memref_slice %arg7[%dma_start3A_186] : memref<16384xf32, #tpu.memory_space<vmem>> -> memref<512xf32, #tpu.memory_space<vmem>>
          tpu.enqueue_dma source(%dma_start3A_187 : memref<512xf32, #tpu.memory_space<vmem>>) target(%dma_start3A_185 : memref<512xf32, #tpu.memory_space<hbm>>) target_semaphore(%arg8 : memref<!tpu.dma_semaphore, #tpu.memory_space<semaphore_mem>>)
        } else {
        }
        %add3A_163 = arith.addi %add3A_155, %and3A_157 : i32
        %and3A_164 = arith.constant 2 : i32
        %and3A_165 = arith.andi %sub3A_123, %and3A_164 : i32
        %ne3A_166 = arith.constant 0 : i32
        %ne3A_167 = arith.cmpi ne, %and3A_165, %ne3A_166 : i32
        %convert_element_type3A_168 = arith.extui %ne3A_167 : i1 to i32
        %cond3A_169 = arith.constant 0 : i32
        %cond3A_170 = arith.cmpi ne, %convert_element_type3A_168, %cond3A_169 : i32
        scf.if %cond3A_170 {
          %add3A_180 = arith.addi %add3A_52, %add3A_163 : i32
          %mul3A_181 = arith.constant 128 : i32
          %mul3A_182 = arith.muli %add3A_180, %mul3A_181 : i32
          %dma_start3A = arith.constant 0 : i32
          %dma_start3A_183 = tpu.memref_slice %arg7[%dma_start3A] : memref<16384xf32, #tpu.memory_space<vmem>> -> memref<256xf32, #tpu.memory_space<vmem>>
          %dma_start3A_184 = tpu.memref_slice %arg4[%mul3A_182] : memref<67108864xf32, #tpu.memory_space<hbm>> -> memref<256xf32, #tpu.memory_space<hbm>>
          %dma_start3A_185 = tpu.memref_slice %arg4[%mul3A_182] : memref<67108864xf32, #tpu.memory_space<hbm>> -> memref<256xf32, #tpu.memory_space<hbm>>
          %dma_start3A_186 = arith.constant 0 : i32
          %dma_start3A_187 = tpu.memref_slice %arg7[%dma_start3A_186] : memref<16384xf32, #tpu.memory_space<vmem>> -> memref<256xf32, #tpu.memory_space<vmem>>
          tpu.enqueue_dma source(%dma_start3A_187 : memref<256xf32, #tpu.memory_space<vmem>>) target(%dma_start3A_185 : memref<256xf32, #tpu.memory_space<hbm>>) target_semaphore(%arg8 : memref<!tpu.dma_semaphore, #tpu.memory_space<semaphore_mem>>)
        } else {
        }
        %add3A_171 = arith.addi %add3A_163, %and3A_165 : i32
        %and3A_172 = arith.constant 1 : i32
        %and3A_173 = arith.andi %sub3A_123, %and3A_172 : i32
        %ne3A_174 = arith.constant 0 : i32
        %ne3A_175 = arith.cmpi ne, %and3A_173, %ne3A_174 : i32
        %convert_element_type3A_176 = arith.extui %ne3A_175 : i1 to i32
        %cond3A_177 = arith.constant 0 : i32
        %cond3A_178 = arith.cmpi ne, %convert_element_type3A_176, %cond3A_177 : i32
        scf.if %cond3A_178 {
          %add3A_180 = arith.addi %add3A_52, %add3A_171 : i32
          %mul3A_181 = arith.constant 128 : i32
          %mul3A_182 = arith.muli %add3A_180, %mul3A_181 : i32
          %dma_start3A = arith.constant 0 : i32
          %dma_start3A_183 = tpu.memref_slice %arg7[%dma_start3A] : memref<16384xf32, #tpu.memory_space<vmem>> -> memref<128xf32, #tpu.memory_space<vmem>>
          %dma_start3A_184 = tpu.memref_slice %arg4[%mul3A_182] : memref<67108864xf32, #tpu.memory_space<hbm>> -> memref<128xf32, #tpu.memory_space<hbm>>
          %dma_start3A_185 = tpu.memref_slice %arg4[%mul3A_182] : memref<67108864xf32, #tpu.memory_space<hbm>> -> memref<128xf32, #tpu.memory_space<hbm>>
          %dma_start3A_186 = arith.constant 0 : i32
          %dma_start3A_187 = tpu.memref_slice %arg7[%dma_start3A_186] : memref<16384xf32, #tpu.memory_space<vmem>> -> memref<128xf32, #tpu.memory_space<vmem>>
          tpu.enqueue_dma source(%dma_start3A_187 : memref<128xf32, #tpu.memory_space<vmem>>) target(%dma_start3A_185 : memref<128xf32, #tpu.memory_space<hbm>>) target_semaphore(%arg8 : memref<!tpu.dma_semaphore, #tpu.memory_space<semaphore_mem>>)
        } else {
        }
        %add3A_179 = arith.addi %add3A_171, %and3A_173 : i32
      } else {
      }
    }
    %scan3A_38 = arith.constant 128 : i32
    %scan3A_39 = arith.constant 0 : i32
    %scan3A_40 = arith.constant 0 : i32
    %scan3A_41 = arith.constant 128 : i32
    %scan3A_42 = arith.addi %scan3A_40, %scan3A_41 : i32
    %scan3A_43 = arith.constant 1 : i32
    scf.for %scan3A_45 = %scan3A_40 to %scan3A_42 step %scan3A_43  : i32 {
      %dma_wait3A = arith.constant 0 : i32
      %dma_wait3A_46 = tpu.memref_slice %arg4[%dma_wait3A] : memref<67108864xf32, #tpu.memory_space<hbm>> -> memref<16384xf32, #tpu.memory_space<hbm>>
      %dma_wait3A_47 = arith.constant 0 : i32
      %dma_wait3A_48 = tpu.memref_slice %arg4[%dma_wait3A_47] : memref<67108864xf32, #tpu.memory_space<hbm>> -> memref<16384xf32, #tpu.memory_space<hbm>>
      tpu.wait_dma2 semaphore(%arg8 : memref<!tpu.dma_semaphore, #tpu.memory_space<semaphore_mem>>) src(%dma_wait3A_48 : memref<16384xf32, #tpu.memory_space<hbm>>) dst(%arg6 : memref<16384xf32, #tpu.memory_space<vmem>>)
    }
    %scan3A_44 = arith.constant 128 : i32
    return
  }
}

</mosaic_0001>

<sc_bundles>
// kernel: kernel.3.cloned.1.call-start
scs
__scs_entry_jumppad:
0x0: {  	(pc) =	sbr.rel $0x88, $3  }
0x1: {  	(tag) =	ssettag $0x0;
	lr =	simm.s32 $0x1  }
0x2: {  	[smem:$0x3F9E] =	sst lr;
	_ =	strace $0xD0000000  }
0x3: {  	_ = 	snop  }
0x4: {  	_ = 	snop  }
0x5: {  	_ = 	snop  }
0x6: {  	_ = 	snop  }
0x7: {  	_ = 	snop  }
__scs_overlays_trampoline_lowered:
0x8: {  	[smem:$0x3FAD] =	sst s0  }
0x9: {  	[smem:$0x3FAE] =	sst s1  }
0xa: {  	[smem:$0x3FAF] =	sst s2  }
0xb: {  	[smem:$0x3FB0] =	sst s3  }
0xc: {  	[smem:$0x3FB1] =	sst s4  }
0xd: {  	[smem:$0x3FB2] =	sst s5  }
0xe: {  	[smem:$0x3FB3] =	sst s6  }
0xf: {  	[smem:$0x3FB4] =	sst s7  }
0x10: {  	[smem:$0x3FB5] =	sst s8  }
0x11: {  	[smem:$0x3FB6] =	sst s9;
	s0 =	simm.s32 @!p0 $0x0  }
0x12: {  	s1 =	sld [smem:$0x3F9C];
	s0 =	simm.s32 @p0 $0x1  }
0x13: {  	[smem:$0x3FB7] =	sst s0;
	s0 =	simm.s32 @!p1 $0x0  }
0x14: {  	s2 =	sld [smem:$0x3F9B];
	s0 =	simm.s32 @p1 $0x1  }
0x15: {  	[smem:$0x3FB8] =	sst s0;
	s0 =	simm.s32 @!p2 $0x0  }
0x16: {  	s3 =	sld [smem:$0x3FDB];
	s0 =	simm.s32 @p2 $0x1  }
0x17: {  	s4 =	simm.s32 $0x1BF5;
	[smem:$0x3FBA] =	sst s0  }
0x18: {  	s0 =	sld [smem:$0x3F9D];
	_ =	swait.ge [sflag:s4], $0x0  }
0x19: {  	s7 =	sld [smem:$0x3F9E]  }
0x1a: {  	s8 =	sadd.s32 $0xFFFFE003, lr  }
0x1b: {  	s9 =	sadd.s32 $0xFFFFFEF7, lr;
	s5 =	simm.s32 $0xFFFFFFFF;
	p2 =	slt.u32 s8, $0xFFFFF086  }
0x1c: {  	p1 =	slt.u32 s9, $0xF7A;
	s5 =	simm.s32 @!p2 $0x0  }
0x1d: {  	s5 =	simm.s32 @p1 $0x1;
	p0 =	seq.s32 s7, s2  }
0x1e: {  	s7 =	smul.u32 @!p0 $0xF7A, s2;
	p2 =	seq.s32 @!p0 s5, $0x0  }
0x1f: {  	s9 =	smul.u32 $0xF7A, s1;
	s8 =	simm.s32 @!p0 $0x1BF5;
	p2 =	por !p2, p0  }
0x20: {  	[sflag:s8] =	ssyncset.s32 @!p0 $0xFFFFF086;
	s6 =	sadd.s32 @!p0 s3, s7;
	s7 =	simm.s32 @!p0 $0x108  }
0x21: {  	s3 =	sadd.s32 s3, s9;
	s6 =	sadd.s32 @!p0 $0x88, s6;
	s7 =	simm.s32 @p2 $0x1082  }
0x22: {  	[simem:s7], [sflag:s8] =	dma.local @!p0 [hbm:s6], $0xF7A  }
0x23: {  	s9 =	sor.u32 $0xD0000000, s2;
	s6 =	simm.s32 $0x108;
	_ =	swait.ge @!p0 [sflag:s8], $0x0  }
0x24: {  	s3 =	sadd.s32 $0x88, s3;
	s6 =	simm.s32 @!p1 $0x1082;
	[sflag:s4] =	ssyncset.s32 $0xFFFFF086  }
0x25: {  	[simem:s6], [sflag:s4] =	dma.local [hbm:s3], $0xF7A  }
0x26: {  	[smem:$0x3F9E] =	sst s1;
	(tag) =	ssettag s2;
	_ =	strace s9  }
0x27: {  	s1 =	sld [smem:$0x3FAE]  }
0x28: {  	s2 =	sld [smem:$0x3FAF]  }
0x29: {  	s4 =	sld [smem:$0x3FB1]  }
0x2a: {  	p0 =	seq.s32 s5, $0x0;
	s5 =	sld [smem:$0x3FB2]  }
0x2b: {  	s6 =	sld [smem:$0x3FB3]  }
0x2c: {  	s7 =	sld [smem:$0x3FB4]  }
0x2d: {  	s3 =	simm.s32 $0x108;
	s8 =	sld [smem:$0x3FB5]  }
0x2e: {  	s3 =	simm.s32 @!p0 $0x1082;
	s9 =	sld [smem:$0x3FB6]  }
0x2f: {  	lr =	sadd.s32 s0, s3;
	s0 =	sld [smem:$0x3FAD]  }
0x30: {  	s3 =	sld [smem:$0x3FB0]  }
0x31: {  	[smem:$0x3FB9] =	sst s10  }
0x32: {  	s10 =	sld [smem:$0x3FB7];
	_ =	sdelay $0x3  }
0x33: {  	p0 =	seq.s32 s10, $0x1;
	s10 =	sld [smem:$0x3FB9];
	_ =	sdelay $0x3  }
0x34: {  	[smem:$0x3FB9] =	sst s10  }
0x35: {  	s10 =	sld [smem:$0x3FB8];
	_ =	sdelay $0x3  }
0x36: {  	p1 =	seq.s32 s10, $0x1;
	s10 =	sld [smem:$0x3FB9];
	_ =	sdelay $0x3  }
0x37: {  	[smem:$0x3FB9] =	sst s10  }
0x38: {  	s10 =	sld [smem:$0x3FBA]  }
0x39: {  	_ = 	snop;
	(pc) =	sbr.ind lr, $3  }
0x3a: {  	_ = 	snop  }
0x3b: {  	_ = 	snop  }
0x3c: {  	p2 =	seq.s32 s10, $0x1;
	s10 =	sld [smem:$0x3FB9]  }
0x3d: {  	_ =	shalt  }
0x3e: {  	_ =	shalt  }
0x3f: {  	_ =	shalt  }
0x40: {  	_ =	shalt  }
0x41: {  	_ =	shalt  }
0x42: {  	_ =	shalt  }
0x43: {  	_ =	shalt  }
0x44: {  	_ =	shalt  }
0x45: {  	_ =	shalt  }
0x46: {  	_ =	shalt  }
0x47: {  	_ =	shalt  }
0x48: {  	_ =	shalt  }
0x49: {  	_ =	shalt  }
0x4a: {  	_ =	shalt  }
0x4b: {  	_ =	shalt  }
0x4c: {  	_ =	shalt  }
0x4d: {  	_ =	shalt  }
0x4e: {  	_ =	shalt  }
0x4f: {  	_ =	shalt  }
0x50: {  	_ =	shalt  }
0x51: {  	_ =	shalt  }
0x52: {  	_ =	shalt  }
0x53: {  	_ =	shalt  }
0x54: {  	_ =	shalt  }
0x55: {  	_ =	shalt  }
0x56: {  	_ =	shalt  }
0x57: {  	_ =	shalt  }
0x58: {  	_ =	shalt  }
0x59: {  	_ =	shalt  }
0x5a: {  	_ =	shalt  }
0x5b: {  	_ =	shalt  }
0x5c: {  	_ =	shalt  }
0x5d: {  	_ =	shalt  }
0x5e: {  	_ =	shalt  }
0x5f: {  	_ =	shalt  }
0x60: {  	_ =	shalt  }
0x61: {  	_ =	shalt  }
0x62: {  	_ =	shalt  }
0x63: {  	_ =	shalt  }
0x64: {  	_ =	shalt  }
0x65: {  	_ =	shalt  }
0x66: {  	_ =	shalt  }
0x67: {  	_ =	shalt  }
0x68: {  	_ =	shalt  }
0x69: {  	_ =	shalt  }
0x6a: {  	_ =	shalt  }
0x6b: {  	_ =	shalt  }
0x6c: {  	_ =	shalt  }
0x6d: {  	_ =	shalt  }
0x6e: {  	_ =	shalt  }
0x6f: {  	_ =	shalt  }
0x70: {  	_ =	shalt  }
0x71: {  	_ =	shalt  }
0x72: {  	_ =	shalt  }
0x73: {  	_ =	shalt  }
0x74: {  	_ =	shalt  }
0x75: {  	_ =	shalt  }
0x76: {  	_ =	shalt  }
0x77: {  	_ =	shalt  }
0x78: {  	_ =	shalt  }
0x79: {  	_ =	shalt  }
0x7a: {  	_ =	shalt  }
0x7b: {  	_ =	shalt  }
0x7c: {  	_ =	shalt  }
0x7d: {  	_ =	shalt  }
0x7e: {  	_ =	shalt  }
0x7f: {  	_ =	shalt  }
0x80: {  	_ =	shalt  }
0x81: {  	_ =	shalt  }
0x82: {  	_ =	shalt  }
0x83: {  	_ =	shalt  }
0x84: {  	_ =	shalt  }
0x85: {  	_ =	shalt  }
0x86: {  	_ =	shalt  }
0x87: {  	_ =	shalt  }
.Lfunc_end0:
.L_simem_size_0:
called_computation_lowered:
.L_overlay_start_0:
0x88: {  	s2 =	sld [smem:$0x3FD9]  }
0x89: {  	s3 =	sld [smem:$0x3FFE];
	_ =	sdelay $0x1  }
0x8a: {  	s1 =	srdreg.scid  }
0x8b: {  	s0 =	sand.u32 $0x1, s1  }
0x8c: {  	s17 =	sshll.u32 s0, $0xA;
	s2 =	sadd.s32 s3, s2  }
0x8d: {  	s2 =	sadd.s32 s2, s17  }
0x8e: {  	[smem:$0x3FC5] =	sst s2  }
0x8f: {  	_ = 	snop  }
0x90: {  	s2 =	sld [smem:$0x3FC7]  }
0x91: {  	s18 =	sld [smem:$0x3FD0];
	(tm) =	ssettm $0x1  }
0x92: {  	s4 =	sld [smem:$0x3FFB];
	_ =	sdelay $0x3  }
0x93: {  	_ =	strace s4  }
0x94: {  	s4 =	sld [smem:$0x3FFC];
	_ =	sdelay $0x3  }
0x95: {  	_ =	strace s4  }
0x96: {  	s4 =	sld [smem:$0x3FFD];
	_ =	sdelay $0x3  }
0x97: {  	_ =	strace s4  }
0x98: {  	_ =	strace $0x8FFFFFFF  }
0x99: {  	s19 =	sld [smem:$0x3FDB];
	_ =	sdelay $0x1  }
0x9a: {  	s5 =	simm.s32 $_scs_section_size  }
0x9b: {  	s6 =	simm.s32 $_size__tile_overlayer_lowered;
	s7 =	simm.s32 $_tile_overlayer_lowered  }
0x9c: {  	s22 =	simm.s32 $0x1BFF;
	s21 =	sshll.u32 s7, $0x1;
	s4 =	sadd.s32 s5, s19  }
0x9d: {  	s8 =	simm.s32 $0x0;
	s20 =	sshll.u32 s6, $0x1;
	s6 =	sadd.s32 s21, s4  }
0x9e: {  	[timem:s8], [sflag:s22] =	dma.local [hbm:s6], s20  }
0x9f: {  	_ =	swait.ge [sflag:s22], s20  }
0xa0: {  	s5 =	ssub.s32 $0x0, s20;
	[sflag:s22] =	ssyncset.done $0x0  }
0xa1: {  	[sflag:s22] =	ssyncadd.s32 s5;
	_ =	sdelay $0x1  }
0xa2: {  	s23 =	simm.s32 $0x1B8B  }
0xa3: {  	_ =	swait.ge [sflag:s23], $0x1  }
0xa4: {  	[sflag:s23] =	ssyncset.done $0x0  }
0xa5: {  	s25 =	simm.s32 $0x1B8E;
	s24 =	sld [smem:$0x3FFE];
	[sflag:s23] =	ssyncadd.s32 $0xFFFFFFFF  }
0xa6: {  	s26 =	simm.s32 $execute0_lowered;
	[smem:$0x3FD2] =	sst s25  }
0xa7: {  	s6 =	sshll.u32 s26, $0x1;
	_ =	strace $0x80000046;
	[dreg:$0x1] =	wrdreg $0xFFFFFFFF  }
0xa8: {  	s28 =	simm.s32 $_size_execute0_lowered;
	s4 =	sadd.s32 s4, s6;
	[dreg:$0x0] =	wrdreg $0x0  }
0xa9: {  	s6 =	sshll.u32 s28, $0x1;
	[dreg:$0x2] =	wrdreg s4  }
0xaa: {  	[dreg:$0x3] =	wrdreg s6  }
0xab: {  	[dreg:$0x4] =	wrdreg $0xC0  }
0xac: {  	_ =	task [dreg:s8], $0x5FFFF  }
0xad: {  	[dreg:$0x1] =	wrdreg $0xFFFFFFFF  }
0xae: {  	[dreg:$0x0] =	wrdreg $0x60  }
0xaf: {  	[dreg:$0x2] =	wrdreg s24  }
0xb0: {  	[dreg:$0x3] =	wrdreg s2  }
0xb1: {  	[dreg:$0x4] =	wrdreg s18  }
0xb2: {  	[dreg:$0x5] =	wrdreg $0x9  }
0xb3: {  	_ =	task.clear_ibuf [dreg:s8], $0x6FFFF;
	_ =	strace $0x90000046  }
0xb4: {  	s29 =	simm.s32 $0x9;
	_ =	strace $0x80000048  }
0xb5: {  	_ =	swait.ge [sflag:s29], $0x1  }
0xb6: {  	[sflag:s29] =	ssyncadd.s32 $0xFFFFFFFF  }
0xb7: {  	_ =	strace $0x90000048  }
0xb8: {  	_ =	sfence  }
0xb9: {  	s30 =	sld [smem:$0x0];
	_ =	sdelay $0x2  }
0xba: {  	s31 =	sshll.u32 s1, $0xD;
	s1 =	sshrl.u32 s1, $0x2  }
0xbb: {  	s3 =	sand.u32 $0x4000, s31;
	s1 =	sadd.s32 s1, s30  }
0xbc: {  	s0 =	sor.u32 s3, s0;
	s1 =	sshll.u32 s1, $0x11  }
0xbd: {  	s0 =	sor.u32 s1, s0  }
0xbe: {  	s0 =	sadd.s32 $0x8F2B, s0  }
0xbf: {  	[sflag:s0] =	ssyncadd.remote.s32 $0x1  }
0xc0: {  	_ =	sfence.sel $0xFFFF  }
0xc1: {  	[dreg:$0x0] =	wrdreg $0xFFFFFFFF;
	(pc) =	sbr.abs _section_cstart, $3  }
0xc2: {  	[dreg:$0x1] =	wrdreg $0xFFFFFFFF  }
0xc3: {  	_ =	task.clear_ibuf [dreg:s8], $0x2FFFF;
	_ =	strace $0x9FFFFFFF  }
0xc4: {  	(tm) =	ssettm $0x7FFFFFFF  }
0xc5: {  	_ =	shalt  }
tec
execute0_lowered:
.L_overlay_start_1:
0x0: {  	(tag) =	ssettag $0x1  }
0x1: {  	s5 =	rddreg [dreg:$0x0]  }
0x2: {  	s1 =	rddreg [dreg:$0x1]  }
0x3: {  	s3 =	rddreg [dreg:$0x2]  }
0x4: {  	s0 =	rddreg [dreg:$0x3];
	s6 =	srdreg.scid  }
0x5: {  	s4 =	simm.s32 $0x0;
	s2 =	stileid.u32;
	s12 =	simm.s32 $0x100  }
0x6: {  	s13 =	simm.s32 $0x4100;
	s14 =	simm.s32 $0x1;
	s15 =	simm.s32 $0x0  }
0x7: {  	s10 =	sand.u32 $0x1, s6;
	[smem:$0x7FF] =	sst s4;
	s7 =	sshll.u32 s2, $0x1  }
0x8: {  	s5 =	sadd.s32 $0x400, s5;
	s30 =	sshll.u32 s2, $0xC;
	s31 =	sshll.u32 s2, $0x8  }
0x9: {  	s6 =	ssub.s32 $0x2, s10;
	_ =	strace $0x80000047;
	s7 =	sor.u32 s10, s7  }
0xa: {  	s11 =	sshll.u32 s10, $0xB;
	s10 =	sshll.u32 s10, $0x7;
	s8 =	sshrl.u32 s6, $0x1  }
0xb: {  	s9 =	sshll.u32 s7, $0xB;
	s10 =	sor.u32 s10, s31;
	s8 =	ssub.s32 s6, s8  }
0xc: {  	s6 =	sshll.u32 s7, $0x7;
	s7 =	sadd.s32 s1, s9;
	s9 =	sadd.s32 s30, s3  }
0xd: {  	s8 =	smax.u32 s8, $0x1;
	s9 =	sadd.s32 s11, s9;
	s11 =	simm.s32 $0x2  }
.LBB2_1:
0xe: {  	[tilespmem:s4], [sflag:$0x2] =	stream.linear.gather [hbm4b:s5+s4], $0x80, $0x38;
	[tilespmem:$0x8100] =	vst v63  }
0xf: {  	_ =	swait.ge [sflag:s11], $0x80  }
0x10: {  	[sflag:s11] =	ssyncset.done $0x0  }
0x11: {  	[sflag:s11] =	ssyncadd.s32 $0xFFFFFF80  }
0x12: {  	[tilespmem:s12], [sflag:$0x2] =	stream.linear.gather [hbm4b:s7+s4], $0x4000, $0x38;
	[tilespmem:$0x8100] =	vst v63  }
0x13: {  	_ =	swait.ge [sflag:s11], $0x4000  }
0x14: {  	[sflag:s11] =	ssyncset.done $0x0  }
0x15: {  	[sflag:s11] =	ssyncadd.s32 $0xFFFFC000  }
0x16: {  	[tilespmem:s13], [sflag:$0x2] =	stream.linear.gather [hbm4b:s1+s4], $0x80, $0x38;
	[tilespmem:$0x8100] =	vst v63  }
0x17: {  	_ =	swait.ge [sflag:s11], $0x80  }
0x18: {  	[sflag:s11] =	ssyncset.done $0x0  }
0x19: {  	[sflag:s11] =	ssyncadd.s32 $0xFFFFFF80  }
0x1a: {  	v0 =	vld [tilespmem:$0x4100]  }
0x1b: {  	v1 =	vld [tilespmem:$0x4110]  }
0x1c: {  	v2 =	vld [tilespmem:$0x4120]  }
0x1d: {  	v7 =	vld [tilespmem:$0x4170]  }
0x1e: {  	v3 =	vld [tilespmem:$0x4130]  }
0x1f: {  	v4 =	vld [tilespmem:$0x4140]  }
0x20: {  	v5 =	vld [tilespmem:$0x4150]  }
0x21: {  	s16 =	simm.s32 $0x0;
	s17 =	simm.s32 $0x200;
	v6 =	vld [tilespmem:$0x4160]  }
.LBB2_2:
0x22: {  	p0 =	sne.s32 s17, $0xFC00;
	[tilespmem:s16+$0x41F0] =	vst v7  }
0x23: {  	[tilespmem:s16+$0x4180] =	vst v0  }
0x24: {  	[tilespmem:s16+$0x4190] =	vst v1  }
.Ltmp0:
0x25: {  	[tilespmem:s16+$0x41A0] =	vst v2;
	(pc) =	sbr.rel @p0 .LBB2_2-.Ltmp0, $4  }
0x26: {  	[tilespmem:s16+$0x41B0] =	vst v3  }
0x27: {  	[tilespmem:s16+$0x41C0] =	vst v4  }
0x28: {  	[tilespmem:s16+$0x41D0] =	vst v5  }
0x29: {  	[tilespmem:s16+$0x41E0] =	vst v6;
	s16 =	sshra.s32 s17, $0x2;
	s17 =	sadd.s32 $0x200, s17  }
0x2a: {  	[tilespmem:s16+$0x41F0] =	vst v7  }
0x2b: {  	[tilespmem:s16+$0x4180] =	vst v0  }
0x2c: {  	[tilespmem:s16+$0x4190] =	vst v1  }
0x2d: {  	[tilespmem:s16+$0x41A0] =	vst v2  }
.Ltmp1:
0x2e: {  	[tilespmem:s16+$0x41B0] =	vst v3;
	(pc) =	sbr.rel .LBB2_4-.Ltmp1, $4  }
0x2f: {  	[tilespmem:s16+$0x41C0] =	vst v4  }
0x30: {  	[tilespmem:s16+$0x41D0] =	vst v5  }
0x31: {  	[tilespmem:s16+$0x41E0] =	vst v6;
	s16 =	simm.s32 $0x0  }
0x32: {  	s17 =	smov.u32 s9;
	s18 =	simm.s32 $0x0;
	s19 =	simm.s32 $0x0  }
.LBB2_8:
0x33: {  	s18 =	sadd.s32 $0x1000, s18  }
0x34: {  	p0 =	sne.s32 s18, $0x80000  }
.Ltmp2:
0x35: {  	_ = 	snop;
	(pc) =	sbr.rel @!p0 .LBB2_9-.Ltmp2, $2  }
0x36: {  	_ =	sdelay $0x2  }
0x37: {  	s19 =	sadd.s32 $0x1, s19;
	s17 =	sadd.s32 $0x10000, s17;
	s16 =	sadd.s32 $0x1, s16  }
.LBB2_4:
0x38: {  	v0 =	vld [tilespmem:s16+$0x0];
	_ =	sdelay $0x4  }
0x39: {  	(v2sf) =	vpush v0, $0x0;
	_ =	sdelay $0xe  }
0x3a: {  	s20 =	spop (v2sf)  }
0x3b: {  	s21 =	ssub.s32 s20, s6  }
0x3c: {  	p0 =	sgt.s32 s21, $0x0;
	s20 =	smov.u32 s21  }
0x3d: {  	s20 =	simm.s32 @!p0 $0x0  }
0x3e: {  	s20 =	smin.u32 s20, $0x80  }
0x3f: {  	p0 =	seq.s32 s20, $0x0  }
0x40: {  	p2 =	sne.s32 @!p0 s20, $0x80  }
0x41: {  	p1 =	por p2, p0  }
0x42: {  	p3 =	sgt.s32 @!p1 s21, $0x0  }
0x43: {  	p2 =	por @!p0 p2, p3  }
0x44: {  	p2 =	por p0, !p2  }
.Ltmp3:
0x45: {  	_ = 	snop;
	(pc) =	sbr.rel @!p2 .LBB2_6-.Ltmp3, $3  }
0x46: {  	_ =	sdelay $0x1  }
0x47: {  	s22 =	simm.s32 @!p1 $0x0;
	s23 =	simm.s32 @!p1 $0x100  }
0x48: {  	[hbm4b:s17+s22] =	stream.linear.scatter @!p1 [tilespmem:s23], [sflag:$0x1], $0x4000, $0x38;
	[tilespmem:$0x8100] =	vst v63  }
0x49: {  	s22 =	sshll.u32 s19, $0xC  }
0x4a: {  	s22 =	sor.u32 s6, s22  }
0x4b: {  	s22 =	sshll.u32 @!p1 s22, $0x4  }
0x4c: {  	s22 =	sadd.s32 @!p1 s3, s22  }
0x4d: {  	s22 =	smov.u32 @p0 s17  }
0x4e: {  	[hbm4b:s22+s4] =	stream.linear.scatter [tilespmem:s13], [sflag:$0x1], $0x4000, $0x38;
	[tilespmem:$0x8100] =	vst v63  }
.LBB2_6:
0x4f: {  	s21 =	sadd.s32 $0xFFFFFFFF, s21  }
0x50: {  	p0 =	sgt.u32 s21, $0x7E  }
.Ltmp4:
0x51: {  	_ = 	snop;
	(pc) =	sbr.rel @p0 .LBB2_8-.Ltmp4, $1  }
0x52: {  	_ =	sdelay $0x3  }
0x53: {  	s21 =	sand.u32 $0x40, s20  }
0x54: {  	p0 =	seq.s32 s21, $0x0  }
0x55: {  	s22 =	simm.s32 @!p0 $0x0;
	s23 =	simm.s32 @!p0 $0x100  }
0x56: {  	[hbm4b:s17+s22] =	stream.linear.scatter @!p0 [tilespmem:s23], [sflag:$0x1], $0x2000, $0x38;
	[tilespmem:$0x8100] =	vst v63  }
0x57: {  	s23 =	sand.u32 $0x20, s20  }
0x58: {  	p0 =	seq.s32 s23, $0x0  }
0x59: {  	s22 =	sadd.s32 @!p0 s20, s10  }
0x5a: {  	s22 =	sadd.s32 @!p0 s18, s22  }
0x5b: {  	s22 =	sshll.u32 @!p0 s22, $0x4  }
0x5c: {  	s24 =	sand.u32 $0x10, s20;
	s21 =	sshll.u32 @!p0 s21, $0x7;
	s22 =	sand.u32 @!p0 $0x1FFFFC00, s22  }
0x5d: {  	s23 =	simm.s32 @!p0 $0x0;
	s21 =	sadd.s32 @!p0 $0x100, s21;
	s22 =	sadd.s32 @!p0 s3, s22  }
0x5e: {  	[hbm4b:s22+s23] =	stream.linear.scatter @!p0 [tilespmem:s21], [sflag:$0x1], $0x1000, $0x38;
	[tilespmem:$0x8100] =	vst v63  }
0x5f: {  	p0 =	seq.s32 s24, $0x0  }
0x60: {  	s21 =	sadd.s32 @!p0 s20, s10  }
0x61: {  	s21 =	sadd.s32 @!p0 s18, s21  }
0x62: {  	s22 =	sshll.u32 @!p0 s20, $0x7;
	s21 =	sshll.u32 @!p0 s21, $0x4  }
0x63: {  	s25 =	sand.u32 $0x8, s20;
	s22 =	sand.u32 @!p0 $0x3000, s22;
	s21 =	sand.u32 @!p0 $0x1FFFFE00, s21  }
0x64: {  	s23 =	simm.s32 @!p0 $0x0;
	s22 =	sor.u32 @!p0 $0x100, s22;
	s21 =	sadd.s32 @!p0 s3, s21  }
0x65: {  	[hbm4b:s21+s23] =	stream.linear.scatter @!p0 [tilespmem:s22], [sflag:$0x1], $0x800, $0x38;
	[tilespmem:$0x8100] =	vst v63  }
0x66: {  	p0 =	seq.s32 s25, $0x0  }
0x67: {  	s21 =	sadd.s32 @!p0 s20, s10  }
0x68: {  	s21 =	sadd.s32 @!p0 s18, s21  }
0x69: {  	s22 =	sshll.u32 @!p0 s20, $0x7;
	s21 =	sshll.u32 @!p0 s21, $0x4  }
0x6a: {  	s26 =	sand.u32 $0x4, s20;
	s22 =	sand.u32 @!p0 $0x3800, s22;
	s21 =	sand.u32 @!p0 $0x1FFFFF00, s21  }
0x6b: {  	s23 =	simm.s32 @!p0 $0x0;
	s22 =	sor.u32 @!p0 $0x100, s22;
	s21 =	sadd.s32 @!p0 s3, s21  }
0x6c: {  	[hbm4b:s21+s23] =	stream.linear.scatter @!p0 [tilespmem:s22], [sflag:$0x1], $0x400, $0x38;
	[tilespmem:$0x8100] =	vst v63  }
0x6d: {  	p0 =	seq.s32 s26, $0x0  }
0x6e: {  	s21 =	sadd.s32 @!p0 s20, s10  }
0x6f: {  	s21 =	sadd.s32 @!p0 s18, s21  }
0x70: {  	s22 =	sshll.u32 @!p0 s20, $0x7;
	s21 =	sshll.u32 @!p0 s21, $0x4  }
0x71: {  	s28 =	sand.u32 $0x2, s20;
	s22 =	sand.u32 @!p0 $0x3C00, s22;
	s21 =	sand.u32 @!p0 $0x1FFFFF80, s21  }
0x72: {  	s23 =	simm.s32 @!p0 $0x0;
	s22 =	sor.u32 @!p0 $0x100, s22;
	s21 =	sadd.s32 @!p0 s3, s21  }
0x73: {  	[hbm4b:s21+s23] =	stream.linear.scatter @!p0 [tilespmem:s22], [sflag:$0x1], $0x200, $0x38;
	[tilespmem:$0x8100] =	vst v63  }
0x74: {  	p0 =	seq.s32 s28, $0x0  }
0x75: {  	s21 =	sadd.s32 @!p0 s20, s10  }
0x76: {  	s21 =	sadd.s32 @!p0 s18, s21  }
0x77: {  	s22 =	sshll.u32 @!p0 s20, $0x7;
	s21 =	sshll.u32 @!p0 s21, $0x4  }
0x78: {  	s29 =	sand.u32 $0x1, s20;
	s22 =	sand.u32 @!p0 $0x3E00, s22;
	s21 =	sand.u32 @!p0 $0x1FFFFFC0, s21  }
0x79: {  	s23 =	simm.s32 @!p0 $0x0;
	s22 =	sor.u32 @!p0 $0x100, s22;
	s21 =	sadd.s32 @!p0 s3, s21  }
0x7a: {  	[hbm4b:s21+s23] =	stream.linear.scatter @!p0 [tilespmem:s22], [sflag:$0x1], $0x100, $0x38;
	[tilespmem:$0x8100] =	vst v63  }
0x7b: {  	p0 =	seq.s32 s29, $0x0  }
0x7c: {  	s21 =	sadd.s32 @!p0 s20, s10  }
0x7d: {  	s21 =	sadd.s32 @!p0 s18, s21  }
0x7e: {  	s22 =	sshll.u32 @!p0 s20, $0x7;
	s21 =	sshll.u32 @!p0 s21, $0x4  }
0x7f: {  	s22 =	sand.u32 @!p0 $0x3F00, s22;
	s21 =	sand.u32 @!p0 $0x1FFFFFE0, s21  }
0x80: {  	s23 =	simm.s32 @!p0 $0x0;
	s22 =	sadd.s32 @!p0 $0x100, s22;
	s21 =	sadd.s32 @!p0 s3, s21  }
0x81: {  	[hbm4b:s21+s23] =	stream.linear.scatter @!p0 [tilespmem:s22], [sflag:$0x1], $0x80, $0x38;
	[tilespmem:$0x8100] =	vst v63  }
0x82: {  	s22 =	ssub.s32 $0x80, s20  }
0x83: {  	s21 =	sand.u32 $0x40, s22  }
0x84: {  	p0 =	seq.s32 s21, $0x0  }
0x85: {  	s23 =	sadd.s32 @!p0 s20, s10  }
0x86: {  	s23 =	sadd.s32 @!p0 s18, s23  }
0x87: {  	s23 =	sshll.u32 @!p0 s23, $0x4  }
0x88: {  	s24 =	simm.s32 @!p0 $0x0;
	s25 =	simm.s32 @!p0 $0x4100;
	s23 =	sadd.s32 @!p0 s3, s23  }
0x89: {  	[hbm4b:s23+s24] =	stream.linear.scatter @!p0 [tilespmem:s25], [sflag:$0x1], $0x2000, $0x38;
	[tilespmem:$0x8100] =	vst v63  }
0x8a: {  	s23 =	sand.u32 $0x20, s22  }
0x8b: {  	p0 =	seq.s32 s23, $0x0  }
0x8c: {  	s24 =	sadd.s32 @!p0 s21, s20;
	s25 =	sadd.s32 @!p0 s18, s10  }
0x8d: {  	s24 =	sadd.s32 @!p0 s24, s25  }
0x8e: {  	s24 =	sshll.u32 @!p0 s24, $0x4  }
0x8f: {  	s24 =	sand.u32 @!p0 $0x1FFFFFF0, s24  }
0x90: {  	s26 =	simm.s32 @!p0 $0x4100;
	s25 =	simm.s32 @!p0 $0x0;
	s24 =	sadd.s32 @!p0 s3, s24  }
0x91: {  	[hbm4b:s24+s25] =	stream.linear.scatter @!p0 [tilespmem:s26], [sflag:$0x1], $0x1000, $0x38;
	[tilespmem:$0x8100] =	vst v63  }
0x92: {  	s24 =	sand.u32 $0x10, s22  }
0x93: {  	p0 =	seq.s32 s24, $0x0  }
0x94: {  	s25 =	sadd.s32 @!p0 s21, s20  }
0x95: {  	s26 =	sadd.s32 @!p0 s18, s10;
	s25 =	sadd.s32 @!p0 s23, s25  }
0x96: {  	s25 =	sadd.s32 @!p0 s25, s26  }
0x97: {  	s25 =	sshll.u32 @!p0 s25, $0x4  }
0x98: {  	s25 =	sand.u32 @!p0 $0x1FFFFFF0, s25  }
0x99: {  	s28 =	simm.s32 @!p0 $0x4100;
	s26 =	simm.s32 @!p0 $0x0;
	s25 =	sadd.s32 @!p0 s3, s25  }
0x9a: {  	[hbm4b:s25+s26] =	stream.linear.scatter @!p0 [tilespmem:s28], [sflag:$0x1], $0x800, $0x38;
	[tilespmem:$0x8100] =	vst v63  }
0x9b: {  	s25 =	sand.u32 $0x8, s22  }
0x9c: {  	p0 =	seq.s32 s25, $0x0  }
0x9d: {  	s26 =	sadd.s32 @!p0 s21, s20  }
0x9e: {  	s26 =	sadd.s32 @!p0 s23, s26  }
0x9f: {  	s28 =	sadd.s32 @!p0 s18, s10;
	s26 =	sadd.s32 @!p0 s24, s26  }
0xa0: {  	s26 =	sadd.s32 @!p0 s26, s28  }
0xa1: {  	s26 =	sshll.u32 @!p0 s26, $0x4  }
0xa2: {  	s26 =	sand.u32 @!p0 $0x1FFFFFF0, s26  }
0xa3: {  	s29 =	simm.s32 @!p0 $0x4100;
	s28 =	simm.s32 @!p0 $0x0;
	s26 =	sadd.s32 @!p0 s3, s26  }
0xa4: {  	[hbm4b:s26+s28] =	stream.linear.scatter @!p0 [tilespmem:s29], [sflag:$0x1], $0x400, $0x38;
	[tilespmem:$0x8100] =	vst v63  }
0xa5: {  	s26 =	sand.u32 $0x4, s22  }
0xa6: {  	p0 =	seq.s32 s26, $0x0  }
0xa7: {  	s28 =	sadd.s32 @!p0 s21, s20  }
0xa8: {  	s28 =	sadd.s32 @!p0 s23, s28  }
0xa9: {  	s28 =	sadd.s32 @!p0 s24, s28  }
0xaa: {  	s29 =	sadd.s32 @!p0 s18, s10;
	s28 =	sadd.s32 @!p0 s25, s28  }
0xab: {  	s28 =	sadd.s32 @!p0 s28, s29  }
0xac: {  	s28 =	sshll.u32 @!p0 s28, $0x4  }
0xad: {  	s30 =	sadd.s32 s20, s21;
	s31 =	simm.s32 @!p0 $0x4100;
	s28 =	sand.u32 @!p0 $0x1FFFFFF0, s28  }
0xae: {  	s29 =	sadd.s32 s23, s30;
	s30 =	simm.s32 @!p0 $0x0;
	s28 =	sadd.s32 @!p0 s3, s28  }
0xaf: {  	[hbm4b:s28+s30] =	stream.linear.scatter @!p0 [tilespmem:s31], [sflag:$0x1], $0x200, $0x38;
	[tilespmem:$0x8100] =	vst v63  }
0xb0: {  	s31 =	sadd.s32 s24, s29;
	s29 =	sand.u32 $0x2, s22  }
0xb1: {  	s28 =	sadd.s32 s25, s31;
	p0 =	seq.s32 s29, $0x0  }
0xb2: {  	s28 =	sadd.s32 s26, s28;
	s30 =	sadd.s32 @!p0 s18, s10  }
0xb3: {  	s28 =	sadd.s32 @!p0 s28, s30  }
0xb4: {  	s28 =	sshll.u32 @!p0 s28, $0x4  }
0xb5: {  	s22 =	sand.u32 $0x1, s22;
	s28 =	sand.u32 @!p0 $0x1FFFFFF0, s28  }
0xb6: {  	s31 =	simm.s32 @!p0 $0x4100;
	s30 =	simm.s32 @!p0 $0x0;
	s28 =	sadd.s32 @!p0 s3, s28  }
0xb7: {  	[hbm4b:s28+s30] =	stream.linear.scatter @!p0 [tilespmem:s31], [sflag:$0x1], $0x100, $0x38;
	[tilespmem:$0x8100] =	vst v63  }
0xb8: {  	p0 =	seq.s32 s22, $0x0  }
0xb9: {  	s20 =	sadd.s32 @!p0 s21, s20  }
0xba: {  	s20 =	sadd.s32 @!p0 s23, s20  }
0xbb: {  	s20 =	sadd.s32 @!p0 s24, s20  }
0xbc: {  	s20 =	sadd.s32 @!p0 s25, s20  }
0xbd: {  	s20 =	sadd.s32 @!p0 s26, s20  }
0xbe: {  	s21 =	sadd.s32 @!p0 s18, s10;
	s20 =	sadd.s32 @!p0 s29, s20  }
.Ltmp5:
0xbf: {  	s20 =	sadd.s32 @!p0 s20, s21;
	(pc) =	sbr.rel .LBB2_8-.Ltmp5, $4  }
0xc0: {  	s20 =	sshll.u32 @!p0 s20, $0x4  }
0xc1: {  	s20 =	sand.u32 @!p0 $0x1FFFFFF0, s20  }
0xc2: {  	s22 =	simm.s32 @!p0 $0x4100;
	s21 =	simm.s32 @!p0 $0x0;
	s20 =	sadd.s32 @!p0 s3, s20  }
0xc3: {  	[hbm4b:s20+s21] =	stream.linear.scatter @!p0 [tilespmem:s22], [sflag:$0x1], $0x80, $0x38;
	[tilespmem:$0x8100] =	vst v63  }
.LBB2_9:
0xc4: {  	_ =	swait.ge [sflag:s14], $0x4000  }
0xc5: {  	s16 =	simm.s32 $0x7F;
	[sflag:s14] =	ssyncset.done $0x0  }
.LBB2_10:
0xc6: {  	p0 =	sne.s32 s16, $0x1;
	s16 =	sadd.s32 $0xFFFFFFFF, s16;
	[sflag:s14] =	ssyncadd.s32 $0xFFFFC000  }
.Ltmp6:
0xc7: {  	(pc) =	sbr.rel @p0 .LBB2_10-.Ltmp6, $3  }
0xc8: {  	_ =	sdelay $0x1  }
0xc9: {  	_ =	swait.ge [sflag:s14], $0x4000  }
0xca: {  	[sflag:s14] =	ssyncset.done $0x0  }
0xcb: {  	s15 =	sadd.s32 $0x1, s15  }
0xcc: {  	p0 =	sne.s32 s15, s8  }
.Ltmp7:
0xcd: {  	_ = 	snop;
	(pc) =	sbr.rel @p0 .LBB2_1-.Ltmp7, $2  }
0xce: {  	_ =	sdelay $0x2  }
0xcf: {  	[sflag:s14] =	ssyncadd.s32 $0xFFFFC000  }
0xd0: {  	_ =	sfence.sel $0x180000  }
0xd1: {  	[bflag:$0x0] =	sbarrier.arrive $0xFFFF  }
0xd2: {  	p0 =	sne.s32 s2, $0x0;
	_ =	strace $0x90000047  }
0xd3: {  	s0 =	sadd.s32 @!p0 $0x100000, s0;
	[bflag:$0x2] =	sbarrier.arrive $0xFFFF  }
0xd4: {  	[sflag:s0] =	ssyncadd.tile.s32 @!p0 $0x1;
	_ =	shalt  }
.Lfunc_end2:
_tile_overlayer_lowered:
.L_overlay_start_2:
0xd5: {  	(tag) =	ssettag $0x2  }
0xd6: {  	s0 =	rddreg [dreg:$0x0];
	s2 =	stileid.u32  }
0xd7: {  	s1 =	rddreg [dreg:$0x1];
	p0 =	sne.s32 s2, $0x0  }
0xd8: {  	s3 =	rddreg [dreg:$0x2];
	[bflag:$0x3] =	sbarrier.arrive $0xFFFF;
	s2 =	simm.s32 @!p0 $0x1C02  }
0xd9: {  	[timem:s3], [sflag:s2] =	dma.local @!p0 [hbm:s0], s1  }
0xda: {  	s0 =	simm.s32 @!p0 $0x2  }
0xdb: {  	_ =	swait.ge @!p0 [sflag:s0], s1  }
0xdc: {  	s1 =	ssub.s32 @!p0 $0x0, s1;
	[sflag:s0] =	ssyncset.done @!p0 $0x0  }
0xdd: {  	[sflag:s0] =	ssyncadd.s32 @!p0 s1  }
0xde: {  	[bflag:$0x3] =	sbarrier.arrive $0xFFFF  }
0xdf: {  	_ =	shalt  }

</sc_bundles>
